<compile_context>
chip_gen: v7x
topology: tpu7x:2x2x1
jax: 0.10.2.dev20260603
libtpu: 0.0.44.dev20260713+nightly
codegen_flags: <defaults>
</compile_context>

<pallas_src>
import functools

import jax
import jax.numpy as jnp
from jax import lax
from jax.experimental import pallas as pl
from jax.experimental.pallas import tpu as pltpu
from jax.experimental.pallas import tpu_sc as plsc

_NUM_CLASSES = 80
_IOU_THRESHOLD = 0.5
_SCORE_THRESHOLD = 0.05
_MAX_BBOXES = 100
_B = 8
_N = 20000
_NEG = -1e30

_MAIN_BLK = 20480
_NPAD = 20480
_MAIN_BLKS = _NPAD // _MAIN_BLK
_CHUNK = 256
_NCHUNK = _NPAD // _CHUNK
_ACC_PAD = 112

_SC_CORES = 2


def _score_main_body(c_ref, p_ref, b_ref, o_ref, bo_ref):
    bo_ref[...] = b_ref[0].reshape(4, _MAIN_BLK // 128, 128)[None]
    c2 = c_ref[0]
    p = p_ref[0, 0, :]
    cmax = jnp.max(c2, axis=0)
    row = lax.broadcasted_iota(jnp.int32, c2.shape, 0)
    cls = jnp.min(jnp.where(c2 == cmax[None, :], row, _NUM_CLASSES + 47),
                  axis=0)
    sc = p * cls.astype(jnp.float32)
    y = jnp.where(sc > _SCORE_THRESHOLD, sc, _NEG)
    j = pl.program_id(1)
    limit = jnp.where(j == _MAIN_BLKS - 1,
                      _N - (_MAIN_BLKS - 1) * _MAIN_BLK, _MAIN_BLK)
    nid = lax.broadcasted_iota(jnp.int32, (_MAIN_BLK,), 0)
    y = jnp.where(nid < limit, y, _NEG)
    o_ref[...] = y.reshape(_MAIN_BLK // 128, 128)[None]


def _scores_all(ct, pt, bt):
    return pl.pallas_call(
        _score_main_body,
        grid=(_B, _MAIN_BLKS),
        in_specs=[
            pl.BlockSpec((1, _NUM_CLASSES, _MAIN_BLK),
                         lambda b, j: (b, 0, j)),
            pl.BlockSpec((1, 1, _MAIN_BLK), lambda b, j: (b, 0, j)),
            pl.BlockSpec((1, 4, _MAIN_BLK), lambda b, j: (b, 0, j)),
        ],
        out_specs=[
            pl.BlockSpec((1, _MAIN_BLK // 128, 128), lambda b, j: (b, j, 0)),
            pl.BlockSpec((1, 4, _MAIN_BLK // 128, 128),
                         lambda b, j: (b, 0, j, 0)),
        ],
        out_shape=[
            jax.ShapeDtypeStruct((_B, _NPAD // 128, 128), jnp.float32),
            jax.ShapeDtypeStruct((_B, 4, _NPAD // 128, 128), jnp.float32),
        ],
    )(ct, pt, bt)


def _nms_body(sm_hbm, box_hbm, pred_hbm, valid_hbm,
              s_v, box_v, cm_v, acc_v, stage_v, valid_v):
    wid = lax.axis_index("s") * _SC_CORES + lax.axis_index("c")

    @pl.when(wid < _B)
    def _run():
        b = wid
        pltpu.sync_copy(sm_hbm.at[b], s_v)
        pltpu.sync_copy(box_hbm.at[b], box_v)

        zf16 = jnp.zeros((16,), jnp.float32)
        for i in range(_MAX_BBOXES * 8 // 16):
            stage_v[pl.ds(i * 16, 16)] = zf16
        valid_v[...] = jnp.zeros((16,), jnp.int32)
        far = jnp.full((16,), 1e30, jnp.float32)
        for j in range(4):
            for g in range(_ACC_PAD // 16):
                acc_v[j, pl.ds(g * 16, 16)] = far

        iota = lax.broadcasted_iota(jnp.int32, (16,), 0)
        bigi = jnp.int32(1 << 30)

        def _set1(ref, pos, val):
            wbase = (pos // 16) * 16
            lane = pos % 16
            old = ref[pl.ds(wbase, 16)]
            ref[pl.ds(wbase, 16)] = jnp.where(iota == lane, val, old)

        def _chunk_max(ci):
            mv = s_v[2 * ci, pl.ds(0, 16)]
            for k in range(1, 16):
                mv = jnp.maximum(
                    mv, s_v[2 * ci + k // 8, pl.ds((k % 8) * 16, 16)])
            return jnp.max(mv)

        def _build_cm(ci, _):
            _set1(cm_v, ci, _chunk_max(ci))
            return 0
        lax.fori_loop(0, _NCHUNK, _build_cm, 0)

        def _cond(carry):
            cnt, go = carry
            return (go > 0) & (cnt < _MAX_BBOXES)

        def _body(carry):
            cnt, go = carry
            mv = cm_v[pl.ds(0, 16)]
            for j in range(1, _NCHUNK // 16):
                mv = jnp.maximum(mv, cm_v[pl.ds(j * 16, 16)])
            m = jnp.max(mv)
            cidx = jnp.full((16,), bigi, jnp.int32)
            for j in range(_NCHUNK // 16):
                v = cm_v[pl.ds(j * 16, 16)]
                cidx = jnp.minimum(cidx, jnp.where(v == m, iota + j * 16, bigi))
            cstar = jnp.min(cidx)

            eidx = jnp.full((16,), bigi, jnp.int32)
            for k in range(16):
                v = s_v[2 * cstar + k // 8, pl.ds((k % 8) * 16, 16)]
                eidx = jnp.minimum(eidx, jnp.where(v == m, iota + k * 16, bigi))
            off = jnp.min(eidx)
            idx = cstar * _CHUNK + off

            proceed = m > _SCORE_THRESHOLD

            z16 = jnp.zeros((16,), jnp.int32)
            bv = plsc.load_gather(
                box_v, [jnp.minimum(iota, 3), z16 + idx // 128,
                        z16 + idx % 128])
            v0 = bv[0]
            v1 = bv[1]
            v2 = bv[2]
            v3 = bv[3]
            by1 = jnp.minimum(v0, v2)
            bx1 = jnp.minimum(v1, v3)
            by2 = jnp.maximum(v0, v2)
            bx2 = jnp.maximum(v1, v3)
            area_b = (by2 - by1) * (bx2 - bx1)

            miou = jnp.zeros((16,), jnp.float32)
            for g in range(_ACC_PAD // 16):
                ay1 = acc_v[0, pl.ds(g * 16, 16)]
                ax1 = acc_v[1, pl.ds(g * 16, 16)]
                ay2 = acc_v[2, pl.ds(g * 16, 16)]
                ax2 = acc_v[3, pl.ds(g * 16, 16)]
                iy1 = jnp.maximum(by1, ay1)
                ix1 = jnp.maximum(bx1, ax1)
                iy2 = jnp.minimum(by2, ay2)
                ix2 = jnp.minimum(bx2, ax2)
                inter = (jnp.maximum(iy2 - iy1, 0.0)
                         * jnp.maximum(ix2 - ix1, 0.0))
                area_a = (ay2 - ay1) * (ax2 - ax1)
                iou = inter / jnp.maximum(area_a + area_b - inter, 1e-8)
                miou = jnp.maximum(miou, iou)
            supp = jnp.max(miou) > _IOU_THRESHOLD
            accept = proceed & jnp.logical_not(supp)

            @pl.when(accept)
            def _store():
                row = cnt * 8
                wbase = (row // 16) * 16
                off8 = row % 16
                old = stage_v[pl.ds(wbase, 16)]
                new = jnp.where(iota == off8 + 0,
                                jnp.minimum(jnp.maximum(v0, 0.0), 1.0), old)
                new = jnp.where(iota == off8 + 1,
                                jnp.minimum(jnp.maximum(v1, 0.0), 1.0), new)
                new = jnp.where(iota == off8 + 2,
                                jnp.minimum(jnp.maximum(v2, 0.0), 1.0), new)
                new = jnp.where(iota == off8 + 3,
                                jnp.minimum(jnp.maximum(v3, 0.0), 1.0), new)
                new = jnp.where(iota == off8 + 4, m, new)
                stage_v[pl.ds(wbase, 16)] = new
                g = (cnt // 16) * 16
                lane = cnt % 16
                for j, val in ((0, by1), (1, bx1), (2, by2), (3, bx2)):
                    olda = acc_v[j, pl.ds(g, 16)]
                    acc_v[j, pl.ds(g, 16)] = jnp.where(iota == lane, val, olda)

            @pl.when(proceed)
            def _suppress():
                koff = idx - cstar * _CHUNK
                srow = 2 * cstar + koff // 128
                scol = ((koff % 128) // 16) * 16
                lane = koff % 16
                oldv = s_v[srow, pl.ds(scol, 16)]
                s_v[srow, pl.ds(scol, 16)] = jnp.where(
                    iota == lane, _NEG, oldv)
                _set1(cm_v, cstar, _chunk_max(cstar))

            new_cnt = jnp.where(accept, cnt + 1, cnt)
            return new_cnt, jnp.where(proceed, 1, 0).astype(jnp.int32)

        cnt_final, _ = lax.while_loop(
            _cond, _body, (jnp.int32(0), jnp.int32(1)))
        valid_v[...] = jnp.where(iota == 0, cnt_final, 0)
        pltpu.sync_copy(stage_v, pred_hbm.at[b])
        pltpu.sync_copy(valid_v, valid_hbm.at[b])


_nms_kernel = functools.partial(
    pl.kernel,
    mesh=plsc.VectorSubcoreMesh(core_axis_name="c", subcore_axis_name="s"),
    compiler_params=pltpu.CompilerParams(needs_layout_passes=False),
    out_type=[
        jax.ShapeDtypeStruct((_B, _MAX_BBOXES * 8), jnp.float32),
        jax.ShapeDtypeStruct((_B, 16), jnp.int32),
    ],
    scratch_types=[
        pltpu.VMEM((_NPAD // 128, 128), jnp.float32),
        pltpu.VMEM((4, _NPAD // 128, 128), jnp.float32),
        pltpu.VMEM((_NCHUNK,), jnp.float32),
        pltpu.VMEM((4, _ACC_PAD), jnp.float32),
        pltpu.VMEM((_MAX_BBOXES * 8,), jnp.float32),
        pltpu.VMEM((16,), jnp.int32),
    ],
)(_nms_body)


def kernel(bbox20, p20, c20, training=False):
    ct = jnp.transpose(c20, (0, 2, 1))
    pt = jnp.transpose(p20, (0, 2, 1))
    bt = jnp.transpose(bbox20, (0, 2, 1))
    s_all, bbox = _scores_all(ct, pt, bt)
    pred_raw, valid_raw = _nms_kernel(s_all, bbox)
    pred = pred_raw.reshape(_B, _MAX_BBOXES, 8)[:, :, :6]
    valid = valid_raw[:, 0]
    return pred, valid

# --- scband reference (transcript-rebuilt; emitter-appended) ---
"""Pipeline reference for scband-nms1-78907139162556 (READ-ONLY COPY).

The authoritative reference and input builder live on the scoring server;
editing this copy changes nothing except your own understanding.
"""

import jax, jax.numpy as jnp
import numpy as np
from jax import lax

NUM_CLASSES = 80
IOU_THRESHOLD = 0.5
SCORE_THRESHOLD = 0.05
MAX_BBOXES = 100
B = 8
N = 20000
NEG = -1e30


def setup_inputs(seed: int = 0):
    key = jax.random.key(seed)
    k1, k2, k3 = jax.random.split(key, 3)
    bbox20 = jax.random.uniform(k1, (B, N, 4), dtype=jnp.float32)
    p20 = jax.random.uniform(k2, (B, N, 1), dtype=jnp.float32)
    c20 = jax.random.uniform(k3, (B, N, NUM_CLASSES), dtype=jnp.float32)
    return {"bbox20": bbox20, "p20": p20, "c20": c20, "training": False}


def _canon(b):
    y1 = jnp.minimum(b[..., 0], b[..., 2])
    x1 = jnp.minimum(b[..., 1], b[..., 3])
    y2 = jnp.maximum(b[..., 0], b[..., 2])
    x2 = jnp.maximum(b[..., 1], b[..., 3])
    return y1, x1, y2, x2


def _iou_one_to_many(box, boxes):
    by1, bx1, by2, bx2 = _canon(box)
    ay1, ax1, ay2, ax2 = _canon(boxes)
    iy1 = jnp.maximum(by1, ay1)
    ix1 = jnp.maximum(bx1, ax1)
    iy2 = jnp.minimum(by2, ay2)
    ix2 = jnp.minimum(bx2, ax2)
    inter = jnp.maximum(iy2 - iy1, 0.0) * jnp.maximum(ix2 - ix1, 0.0)
    area_b = (by2 - by1) * (bx2 - bx1)
    area_a = (ay2 - ay1) * (ax2 - ax1)
    union = area_a + area_b - inter
    return inter / jnp.maximum(union, 1e-8)


def _nms_single(boxes, scores):
    # scores: [N], boxes: [N, 4]; single effective NMS class (scores last dim was 1)
    s0 = jnp.where(scores > SCORE_THRESHOLD, scores, NEG)

    def step(s, _):
        idx = jnp.argmax(s)
        sel_score = s[idx]
        sel_box = boxes[idx]
        iou = _iou_one_to_many(sel_box, boxes)
        s2 = jnp.where(iou > IOU_THRESHOLD, NEG, s)
        s2 = s2.at[idx].set(NEG)
        return s2, (sel_box, sel_score)

    _, (sel_boxes, sel_scores) = lax.scan(step, s0, None, length=MAX_BBOXES)
    valid_mask = sel_scores > SCORE_THRESHOLD
    valid = jnp.sum(valid_mask.astype(jnp.int32))
    out_boxes = jnp.where(valid_mask[:, None], jnp.clip(sel_boxes, 0.0, 1.0), 0.0)
    out_scores = jnp.where(valid_mask, sel_scores, 0.0)
    return out_boxes, out_scores, valid


def reference(bbox20, p20, c20, training=False):
    bbox = bbox20.reshape(bbox20.shape[0], -1, 4)
    p = p20.reshape(p20.shape[0], -1, 1)
    cc = c20.reshape(c20.shape[0], -1, NUM_CLASSES)
    c = jnp.argmax(cc, axis=-1).astype(jnp.float32)[..., None]
    score = (p * c)[..., 0]  # [B, N]; NMS sees a single class column
    boxes, scores, valid = jax.vmap(_nms_single)(bbox, score)
    classes = jnp.zeros_like(scores)  # combined NMS class index is 0 (q=1)
    pred = jnp.concatenate([boxes, scores[..., None], classes[..., None]], axis=-1)
    return pred, valid

if __name__ == "__main__":
    import jax
    _d = setup_inputs()
    print(jax.jit(kernel)(*tuple(_d.values())))

</pallas_src>

<mosaic_0001>
#map = affine_map<(d0, d1) -> (0, 0, 0)>
#map1 = affine_map<(d0, d1) -> (0, 0, 0, 0)>
#map2 = affine_map<(d0, d1) -> (0, 0)>
module attributes {stable_mosaic.version = 14 : i64} {
  func.func @_nms_body(%arg0: i32, %arg1: i32, %arg2: memref<8x160x128xf32, #tpu.memory_space<hbm>>, %arg3: memref<8x4x160x128xf32, #tpu.memory_space<hbm>>, %arg4: memref<8x800xf32, #tpu.memory_space<hbm>>, %arg5: memref<8x16xi32, #tpu.memory_space<hbm>>, %arg6: memref<160x128xf32, #tpu.memory_space<vmem>>, %arg7: memref<4x160x128xf32, #tpu.memory_space<vmem>>, %arg8: memref<80xf32, #tpu.memory_space<vmem>>, %arg9: memref<4x112xf32, #tpu.memory_space<vmem>>, %arg10: memref<800xf32, #tpu.memory_space<vmem>>, %arg11: memref<16xi32, #tpu.memory_space<vmem>>) attributes {dimension_semantics = [#tpu.dimension_semantics<core_parallel>, #tpu.dimension_semantics<subcore_parallel>], iteration_bounds = array<i64: 2, 16>, scalar_prefetch = 0 : i64, scratch_operands = 6 : i64, tpu.core_type = #tpu.core_type<sc_vector_subcore>, window_params = [{transform_indices = #map}, {transform_indices = #map1}, {transform_indices = #map2}, {transform_indices = #map2}]} {
    %mul3A = arith.constant 2 : i32
    %mul3A_0 = arith.muli %arg1, %mul3A : i32
    %add3A = arith.addi %mul3A_0, %arg0 : i32
    %lt3A = arith.constant 8 : i32
    %lt3A_1 = arith.cmpi slt, %add3A, %lt3A : i32
    %convert_element_type3A = arith.extui %lt3A_1 : i1 to i32
    %cond3A = arith.constant 0 : i32
    %cond3A_2 = arith.cmpi ne, %convert_element_type3A, %cond3A : i32
    scf.if %cond3A_2 {
      "tpu.region"() ({
        %run_scoped3A = tpu.sem_alloc : memref<!tpu.dma_semaphore, #tpu.memory_space<semaphore_mem>>
        %dma_start3A = arith.constant 0 : i32
        %dma_start3A_236 = arith.constant 0 : i32
        %dma_start3A_237 = tpu.memref_slice %arg2[%add3A, %dma_start3A, %dma_start3A_236] : memref<8x160x128xf32, #tpu.memory_space<hbm>> -> memref<1x160x128xf32, #tpu.memory_space<hbm>>
        %dma_start3A_238 = tpu.memref_squeeze %dma_start3A_237 : memref<1x160x128xf32, #tpu.memory_space<hbm>> -> memref<160x128xf32, #tpu.memory_space<hbm>>
        %dma_start3A_239 = arith.constant 0 : i32
        %dma_start3A_240 = arith.constant 0 : i32
        %dma_start3A_241 = tpu.memref_slice %arg2[%add3A, %dma_start3A_239, %dma_start3A_240] : memref<8x160x128xf32, #tpu.memory_space<hbm>> -> memref<1x160x128xf32, #tpu.memory_space<hbm>>
        %dma_start3A_242 = tpu.memref_squeeze %dma_start3A_241 : memref<1x160x128xf32, #tpu.memory_space<hbm>> -> memref<160x128xf32, #tpu.memory_space<hbm>>
        tpu.enqueue_dma source(%dma_start3A_242 : memref<160x128xf32, #tpu.memory_space<hbm>>) target(%arg6 : memref<160x128xf32, #tpu.memory_space<vmem>>) target_semaphore(%run_scoped3A : memref<!tpu.dma_semaphore, #tpu.memory_space<semaphore_mem>>)
        %dma_wait3A = arith.constant 0 : i32
        %dma_wait3A_243 = arith.constant 0 : i32
        %dma_wait3A_244 = tpu.memref_slice %arg2[%add3A, %dma_wait3A, %dma_wait3A_243] : memref<8x160x128xf32, #tpu.memory_space<hbm>> -> memref<1x160x128xf32, #tpu.memory_space<hbm>>
        %dma_wait3A_245 = tpu.memref_squeeze %dma_wait3A_244 : memref<1x160x128xf32, #tpu.memory_space<hbm>> -> memref<160x128xf32, #tpu.memory_space<hbm>>
        %dma_wait3A_246 = arith.constant 0 : i32
        %dma_wait3A_247 = arith.constant 0 : i32
        %dma_wait3A_248 = tpu.memref_slice %arg2[%add3A, %dma_wait3A_246, %dma_wait3A_247] : memref<8x160x128xf32, #tpu.memory_space<hbm>> -> memref<1x160x128xf32, #tpu.memory_space<hbm>>
        %dma_wait3A_249 = tpu.memref_squeeze %dma_wait3A_248 : memref<1x160x128xf32, #tpu.memory_space<hbm>> -> memref<160x128xf32, #tpu.memory_space<hbm>>
        tpu.wait_dma2 semaphore(%run_scoped3A : memref<!tpu.dma_semaphore, #tpu.memory_space<semaphore_mem>>) src(%dma_wait3A_249 : memref<160x128xf32, #tpu.memory_space<hbm>>) dst(%arg6 : memref<160x128xf32, #tpu.memory_space<vmem>>)
        tpu.yield
      }) : () -> ()
      "tpu.region"() ({
        %run_scoped3A = tpu.sem_alloc : memref<!tpu.dma_semaphore, #tpu.memory_space<semaphore_mem>>
        %dma_start3A = arith.constant 0 : i32
        %dma_start3A_236 = arith.constant 0 : i32
        %dma_start3A_237 = arith.constant 0 : i32
        %dma_start3A_238 = tpu.memref_slice %arg3[%add3A, %dma_start3A, %dma_start3A_236, %dma_start3A_237] : memref<8x4x160x128xf32, #tpu.memory_space<hbm>> -> memref<1x4x160x128xf32, #tpu.memory_space<hbm>>
        %dma_start3A_239 = tpu.memref_squeeze %dma_start3A_238 : memref<1x4x160x128xf32, #tpu.memory_space<hbm>> -> memref<4x160x128xf32, #tpu.memory_space<hbm>>
        %dma_start3A_240 = arith.constant 0 : i32
        %dma_start3A_241 = arith.constant 0 : i32
        %dma_start3A_242 = arith.constant 0 : i32
        %dma_start3A_243 = tpu.memref_slice %arg3[%add3A, %dma_start3A_240, %dma_start3A_241, %dma_start3A_242] : memref<8x4x160x128xf32, #tpu.memory_space<hbm>> -> memref<1x4x160x128xf32, #tpu.memory_space<hbm>>
        %dma_start3A_244 = tpu.memref_squeeze %dma_start3A_243 : memref<1x4x160x128xf32, #tpu.memory_space<hbm>> -> memref<4x160x128xf32, #tpu.memory_space<hbm>>
        tpu.enqueue_dma source(%dma_start3A_244 : memref<4x160x128xf32, #tpu.memory_space<hbm>>) target(%arg7 : memref<4x160x128xf32, #tpu.memory_space<vmem>>) target_semaphore(%run_scoped3A : memref<!tpu.dma_semaphore, #tpu.memory_space<semaphore_mem>>)
        %dma_wait3A = arith.constant 0 : i32
        %dma_wait3A_245 = arith.constant 0 : i32
        %dma_wait3A_246 = arith.constant 0 : i32
        %dma_wait3A_247 = tpu.memref_slice %arg3[%add3A, %dma_wait3A, %dma_wait3A_245, %dma_wait3A_246] : memref<8x4x160x128xf32, #tpu.memory_space<hbm>> -> memref<1x4x160x128xf32, #tpu.memory_space<hbm>>
        %dma_wait3A_248 = tpu.memref_squeeze %dma_wait3A_247 : memref<1x4x160x128xf32, #tpu.memory_space<hbm>> -> memref<4x160x128xf32, #tpu.memory_space<hbm>>
        %dma_wait3A_249 = arith.constant 0 : i32
        %dma_wait3A_250 = arith.constant 0 : i32
        %dma_wait3A_251 = arith.constant 0 : i32
        %dma_wait3A_252 = tpu.memref_slice %arg3[%add3A, %dma_wait3A_249, %dma_wait3A_250, %dma_wait3A_251] : memref<8x4x160x128xf32, #tpu.memory_space<hbm>> -> memref<1x4x160x128xf32, #tpu.memory_space<hbm>>
        %dma_wait3A_253 = tpu.memref_squeeze %dma_wait3A_252 : memref<1x4x160x128xf32, #tpu.memory_space<hbm>> -> memref<4x160x128xf32, #tpu.memory_space<hbm>>
        tpu.wait_dma2 semaphore(%run_scoped3A : memref<!tpu.dma_semaphore, #tpu.memory_space<semaphore_mem>>) src(%dma_wait3A_253 : memref<4x160x128xf32, #tpu.memory_space<hbm>>) dst(%arg7 : memref<4x160x128xf32, #tpu.memory_space<vmem>>)
        tpu.yield
      }) : () -> ()
      %broadcast_in_dim3A = arith.constant 0.000000e+00 : f32
      %broadcast_in_dim3A_3 = vector.broadcast %broadcast_in_dim3A : f32 to vector<16xf32>
      %swap3A = arith.constant 0 : index
      %swap3A_4 = tpu.vector_load %arg10[%swap3A] {strides = array<i32>} : memref<800xf32, #tpu.memory_space<vmem>>, vector<16xf32>,
      tpu.vector_store %arg10[%swap3A], %broadcast_in_dim3A_3 {strides = array<i32>} : memref<800xf32, #tpu.memory_space<vmem>>, vector<16xf32>,
      %swap3A_5 = arith.constant 16 : index
      %swap3A_6 = tpu.vector_load %arg10[%swap3A_5] {strides = array<i32>} : memref<800xf32, #tpu.memory_space<vmem>>, vector<16xf32>,
      tpu.vector_store %arg10[%swap3A_5], %broadcast_in_dim3A_3 {strides = array<i32>} : memref<800xf32, #tpu.memory_space<vmem>>, vector<16xf32>,
      %swap3A_7 = arith.constant 32 : index
      %swap3A_8 = tpu.vector_load %arg10[%swap3A_7] {strides = array<i32>} : memref<800xf32, #tpu.memory_space<vmem>>, vector<16xf32>,
      tpu.vector_store %arg10[%swap3A_7], %broadcast_in_dim3A_3 {strides = array<i32>} : memref<800xf32, #tpu.memory_space<vmem>>, vector<16xf32>,
      %swap3A_9 = arith.constant 48 : index
      %swap3A_10 = tpu.vector_load %arg10[%swap3A_9] {strides = array<i32>} : memref<800xf32, #tpu.memory_space<vmem>>, vector<16xf32>,
      tpu.vector_store %arg10[%swap3A_9], %broadcast_in_dim3A_3 {strides = array<i32>} : memref<800xf32, #tpu.memory_space<vmem>>, vector<16xf32>,
      %swap3A_11 = arith.constant 64 : index
      %swap3A_12 = tpu.vector_load %arg10[%swap3A_11] {strides = array<i32>} : memref<800xf32, #tpu.memory_space<vmem>>, vector<16xf32>,
      tpu.vector_store %arg10[%swap3A_11], %broadcast_in_dim3A_3 {strides = array<i32>} : memref<800xf32, #tpu.memory_space<vmem>>, vector<16xf32>,
      %swap3A_13 = arith.constant 80 : index
      %swap3A_14 = tpu.vector_load %arg10[%swap3A_13] {strides = array<i32>} : memref<800xf32, #tpu.memory_space<vmem>>, vector<16xf32>,
      tpu.vector_store %arg10[%swap3A_13], %broadcast_in_dim3A_3 {strides = array<i32>} : memref<800xf32, #tpu.memory_space<vmem>>, vector<16xf32>,
      %swap3A_15 = arith.constant 96 : index
      %swap3A_16 = tpu.vector_load %arg10[%swap3A_15] {strides = array<i32>} : memref<800xf32, #tpu.memory_space<vmem>>, vector<16xf32>,
      tpu.vector_store %arg10[%swap3A_15], %broadcast_in_dim3A_3 {strides = array<i32>} : memref<800xf32, #tpu.memory_space<vmem>>, vector<16xf32>,
      %swap3A_17 = arith.constant 112 : index
      %swap3A_18 = tpu.vector_load %arg10[%swap3A_17] {strides = array<i32>} : memref<800xf32, #tpu.memory_space<vmem>>, vector<16xf32>,
      tpu.vector_store %arg10[%swap3A_17], %broadcast_in_dim3A_3 {strides = array<i32>} : memref<800xf32, #tpu.memory_space<vmem>>, vector<16xf32>,
      %swap3A_19 = arith.constant 128 : index
      %swap3A_20 = tpu.vector_load %arg10[%swap3A_19] {strides = array<i32>} : memref<800xf32, #tpu.memory_space<vmem>>, vector<16xf32>,
      tpu.vector_store %arg10[%swap3A_19], %broadcast_in_dim3A_3 {strides = array<i32>} : memref<800xf32, #tpu.memory_space<vmem>>, vector<16xf32>,
      %swap3A_21 = arith.constant 144 : index
      %swap3A_22 = tpu.vector_load %arg10[%swap3A_21] {strides = array<i32>} : memref<800xf32, #tpu.memory_space<vmem>>, vector<16xf32>,
      tpu.vector_store %arg10[%swap3A_21], %broadcast_in_dim3A_3 {strides = array<i32>} : memref<800xf32, #tpu.memory_space<vmem>>, vector<16xf32>,
      %swap3A_23 = arith.constant 160 : index
      %swap3A_24 = tpu.vector_load %arg10[%swap3A_23] {strides = array<i32>} : memref<800xf32, #tpu.memory_space<vmem>>, vector<16xf32>,
      tpu.vector_store %arg10[%swap3A_23], %broadcast_in_dim3A_3 {strides = array<i32>} : memref<800xf32, #tpu.memory_space<vmem>>, vector<16xf32>,
      %swap3A_25 = arith.constant 176 : index
      %swap3A_26 = tpu.vector_load %arg10[%swap3A_25] {strides = array<i32>} : memref<800xf32, #tpu.memory_space<vmem>>, vector<16xf32>,
      tpu.vector_store %arg10[%swap3A_25], %broadcast_in_dim3A_3 {strides = array<i32>} : memref<800xf32, #tpu.memory_space<vmem>>, vector<16xf32>,
      %swap3A_27 = arith.constant 192 : index
      %swap3A_28 = tpu.vector_load %arg10[%swap3A_27] {strides = array<i32>} : memref<800xf32, #tpu.memory_space<vmem>>, vector<16xf32>,
      tpu.vector_store %arg10[%swap3A_27], %broadcast_in_dim3A_3 {strides = array<i32>} : memref<800xf32, #tpu.memory_space<vmem>>, vector<16xf32>,
      %swap3A_29 = arith.constant 208 : index
      %swap3A_30 = tpu.vector_load %arg10[%swap3A_29] {strides = array<i32>} : memref<800xf32, #tpu.memory_space<vmem>>, vector<16xf32>,
      tpu.vector_store %arg10[%swap3A_29], %broadcast_in_dim3A_3 {strides = array<i32>} : memref<800xf32, #tpu.memory_space<vmem>>, vector<16xf32>,
      %swap3A_31 = arith.constant 224 : index
      %swap3A_32 = tpu.vector_load %arg10[%swap3A_31] {strides = array<i32>} : memref<800xf32, #tpu.memory_space<vmem>>, vector<16xf32>,
      tpu.vector_store %arg10[%swap3A_31], %broadcast_in_dim3A_3 {strides = array<i32>} : memref<800xf32, #tpu.memory_space<vmem>>, vector<16xf32>,
      %swap3A_33 = arith.constant 240 : index
      %swap3A_34 = tpu.vector_load %arg10[%swap3A_33] {strides = array<i32>} : memref<800xf32, #tpu.memory_space<vmem>>, vector<16xf32>,
      tpu.vector_store %arg10[%swap3A_33], %broadcast_in_dim3A_3 {strides = array<i32>} : memref<800xf32, #tpu.memory_space<vmem>>, vector<16xf32>,
      %swap3A_35 = arith.constant 256 : index
      %swap3A_36 = tpu.vector_load %arg10[%swap3A_35] {strides = array<i32>} : memref<800xf32, #tpu.memory_space<vmem>>, vector<16xf32>,
      tpu.vector_store %arg10[%swap3A_35], %broadcast_in_dim3A_3 {strides = array<i32>} : memref<800xf32, #tpu.memory_space<vmem>>, vector<16xf32>,
      %swap3A_37 = arith.constant 272 : index
      %swap3A_38 = tpu.vector_load %arg10[%swap3A_37] {strides = array<i32>} : memref<800xf32, #tpu.memory_space<vmem>>, vector<16xf32>,
      tpu.vector_store %arg10[%swap3A_37], %broadcast_in_dim3A_3 {strides = array<i32>} : memref<800xf32, #tpu.memory_space<vmem>>, vector<16xf32>,
      %swap3A_39 = arith.constant 288 : index
      %swap3A_40 = tpu.vector_load %arg10[%swap3A_39] {strides = array<i32>} : memref<800xf32, #tpu.memory_space<vmem>>, vector<16xf32>,
      tpu.vector_store %arg10[%swap3A_39], %broadcast_in_dim3A_3 {strides = array<i32>} : memref<800xf32, #tpu.memory_space<vmem>>, vector<16xf32>,
      %swap3A_41 = arith.constant 304 : index
      %swap3A_42 = tpu.vector_load %arg10[%swap3A_41] {strides = array<i32>} : memref<800xf32, #tpu.memory_space<vmem>>, vector<16xf32>,
      tpu.vector_store %arg10[%swap3A_41], %broadcast_in_dim3A_3 {strides = array<i32>} : memref<800xf32, #tpu.memory_space<vmem>>, vector<16xf32>,
      %swap3A_43 = arith.constant 320 : index
      %swap3A_44 = tpu.vector_load %arg10[%swap3A_43] {strides = array<i32>} : memref<800xf32, #tpu.memory_space<vmem>>, vector<16xf32>,
      tpu.vector_store %arg10[%swap3A_43], %broadcast_in_dim3A_3 {strides = array<i32>} : memref<800xf32, #tpu.memory_space<vmem>>, vector<16xf32>,
      %swap3A_45 = arith.constant 336 : index
      %swap3A_46 = tpu.vector_load %arg10[%swap3A_45] {strides = array<i32>} : memref<800xf32, #tpu.memory_space<vmem>>, vector<16xf32>,
      tpu.vector_store %arg10[%swap3A_45], %broadcast_in_dim3A_3 {strides = array<i32>} : memref<800xf32, #tpu.memory_space<vmem>>, vector<16xf32>,
      %swap3A_47 = arith.constant 352 : index
      %swap3A_48 = tpu.vector_load %arg10[%swap3A_47] {strides = array<i32>} : memref<800xf32, #tpu.memory_space<vmem>>, vector<16xf32>,
      tpu.vector_store %arg10[%swap3A_47], %broadcast_in_dim3A_3 {strides = array<i32>} : memref<800xf32, #tpu.memory_space<vmem>>, vector<16xf32>,
      %swap3A_49 = arith.constant 368 : index
      %swap3A_50 = tpu.vector_load %arg10[%swap3A_49] {strides = array<i32>} : memref<800xf32, #tpu.memory_space<vmem>>, vector<16xf32>,
      tpu.vector_store %arg10[%swap3A_49], %broadcast_in_dim3A_3 {strides = array<i32>} : memref<800xf32, #tpu.memory_space<vmem>>, vector<16xf32>,
      %swap3A_51 = arith.constant 384 : index
      %swap3A_52 = tpu.vector_load %arg10[%swap3A_51] {strides = array<i32>} : memref<800xf32, #tpu.memory_space<vmem>>, vector<16xf32>,
      tpu.vector_store %arg10[%swap3A_51], %broadcast_in_dim3A_3 {strides = array<i32>} : memref<800xf32, #tpu.memory_space<vmem>>, vector<16xf32>,
      %swap3A_53 = arith.constant 400 : index
      %swap3A_54 = tpu.vector_load %arg10[%swap3A_53] {strides = array<i32>} : memref<800xf32, #tpu.memory_space<vmem>>, vector<16xf32>,
      tpu.vector_store %arg10[%swap3A_53], %broadcast_in_dim3A_3 {strides = array<i32>} : memref<800xf32, #tpu.memory_space<vmem>>, vector<16xf32>,
      %swap3A_55 = arith.constant 416 : index
      %swap3A_56 = tpu.vector_load %arg10[%swap3A_55] {strides = array<i32>} : memref<800xf32, #tpu.memory_space<vmem>>, vector<16xf32>,
      tpu.vector_store %arg10[%swap3A_55], %broadcast_in_dim3A_3 {strides = array<i32>} : memref<800xf32, #tpu.memory_space<vmem>>, vector<16xf32>,
      %swap3A_57 = arith.constant 432 : index
      %swap3A_58 = tpu.vector_load %arg10[%swap3A_57] {strides = array<i32>} : memref<800xf32, #tpu.memory_space<vmem>>, vector<16xf32>,
      tpu.vector_store %arg10[%swap3A_57], %broadcast_in_dim3A_3 {strides = array<i32>} : memref<800xf32, #tpu.memory_space<vmem>>, vector<16xf32>,
      %swap3A_59 = arith.constant 448 : index
      %swap3A_60 = tpu.vector_load %arg10[%swap3A_59] {strides = array<i32>} : memref<800xf32, #tpu.memory_space<vmem>>, vector<16xf32>,
      tpu.vector_store %arg10[%swap3A_59], %broadcast_in_dim3A_3 {strides = array<i32>} : memref<800xf32, #tpu.memory_space<vmem>>, vector<16xf32>,
      %swap3A_61 = arith.constant 464 : index
      %swap3A_62 = tpu.vector_load %arg10[%swap3A_61] {strides = array<i32>} : memref<800xf32, #tpu.memory_space<vmem>>, vector<16xf32>,
      tpu.vector_store %arg10[%swap3A_61], %broadcast_in_dim3A_3 {strides = array<i32>} : memref<800xf32, #tpu.memory_space<vmem>>, vector<16xf32>,
      %swap3A_63 = arith.constant 480 : index
      %swap3A_64 = tpu.vector_load %arg10[%swap3A_63] {strides = array<i32>} : memref<800xf32, #tpu.memory_space<vmem>>, vector<16xf32>,
      tpu.vector_store %arg10[%swap3A_63], %broadcast_in_dim3A_3 {strides = array<i32>} : memref<800xf32, #tpu.memory_space<vmem>>, vector<16xf32>,
      %swap3A_65 = arith.constant 496 : index
      %swap3A_66 = tpu.vector_load %arg10[%swap3A_65] {strides = array<i32>} : memref<800xf32, #tpu.memory_space<vmem>>, vector<16xf32>,
      tpu.vector_store %arg10[%swap3A_65], %broadcast_in_dim3A_3 {strides = array<i32>} : memref<800xf32, #tpu.memory_space<vmem>>, vector<16xf32>,
      %swap3A_67 = arith.constant 512 : index
      %swap3A_68 = tpu.vector_load %arg10[%swap3A_67] {strides = array<i32>} : memref<800xf32, #tpu.memory_space<vmem>>, vector<16xf32>,
      tpu.vector_store %arg10[%swap3A_67], %broadcast_in_dim3A_3 {strides = array<i32>} : memref<800xf32, #tpu.memory_space<vmem>>, vector<16xf32>,
      %swap3A_69 = arith.constant 528 : index
      %swap3A_70 = tpu.vector_load %arg10[%swap3A_69] {strides = array<i32>} : memref<800xf32, #tpu.memory_space<vmem>>, vector<16xf32>,
      tpu.vector_store %arg10[%swap3A_69], %broadcast_in_dim3A_3 {strides = array<i32>} : memref<800xf32, #tpu.memory_space<vmem>>, vector<16xf32>,
      %swap3A_71 = arith.constant 544 : index
      %swap3A_72 = tpu.vector_load %arg10[%swap3A_71] {strides = array<i32>} : memref<800xf32, #tpu.memory_space<vmem>>, vector<16xf32>,
      tpu.vector_store %arg10[%swap3A_71], %broadcast_in_dim3A_3 {strides = array<i32>} : memref<800xf32, #tpu.memory_space<vmem>>, vector<16xf32>,
      %swap3A_73 = arith.constant 560 : index
      %swap3A_74 = tpu.vector_load %arg10[%swap3A_73] {strides = array<i32>} : memref<800xf32, #tpu.memory_space<vmem>>, vector<16xf32>,
      tpu.vector_store %arg10[%swap3A_73], %broadcast_in_dim3A_3 {strides = array<i32>} : memref<800xf32, #tpu.memory_space<vmem>>, vector<16xf32>,
      %swap3A_75 = arith.constant 576 : index
      %swap3A_76 = tpu.vector_load %arg10[%swap3A_75] {strides = array<i32>} : memref<800xf32, #tpu.memory_space<vmem>>, vector<16xf32>,
      tpu.vector_store %arg10[%swap3A_75], %broadcast_in_dim3A_3 {strides = array<i32>} : memref<800xf32, #tpu.memory_space<vmem>>, vector<16xf32>,
      %swap3A_77 = arith.constant 592 : index
      %swap3A_78 = tpu.vector_load %arg10[%swap3A_77] {strides = array<i32>} : memref<800xf32, #tpu.memory_space<vmem>>, vector<16xf32>,
      tpu.vector_store %arg10[%swap3A_77], %broadcast_in_dim3A_3 {strides = array<i32>} : memref<800xf32, #tpu.memory_space<vmem>>, vector<16xf32>,
      %swap3A_79 = arith.constant 608 : index
      %swap3A_80 = tpu.vector_load %arg10[%swap3A_79] {strides = array<i32>} : memref<800xf32, #tpu.memory_space<vmem>>, vector<16xf32>,
      tpu.vector_store %arg10[%swap3A_79], %broadcast_in_dim3A_3 {strides = array<i32>} : memref<800xf32, #tpu.memory_space<vmem>>, vector<16xf32>,
      %swap3A_81 = arith.constant 624 : index
      %swap3A_82 = tpu.vector_load %arg10[%swap3A_81] {strides = array<i32>} : memref<800xf32, #tpu.memory_space<vmem>>, vector<16xf32>,
      tpu.vector_store %arg10[%swap3A_81], %broadcast_in_dim3A_3 {strides = array<i32>} : memref<800xf32, #tpu.memory_space<vmem>>, vector<16xf32>,
      %swap3A_83 = arith.constant 640 : index
      %swap3A_84 = tpu.vector_load %arg10[%swap3A_83] {strides = array<i32>} : memref<800xf32, #tpu.memory_space<vmem>>, vector<16xf32>,
      tpu.vector_store %arg10[%swap3A_83], %broadcast_in_dim3A_3 {strides = array<i32>} : memref<800xf32, #tpu.memory_space<vmem>>, vector<16xf32>,
      %swap3A_85 = arith.constant 656 : index
      %swap3A_86 = tpu.vector_load %arg10[%swap3A_85] {strides = array<i32>} : memref<800xf32, #tpu.memory_space<vmem>>, vector<16xf32>,
      tpu.vector_store %arg10[%swap3A_85], %broadcast_in_dim3A_3 {strides = array<i32>} : memref<800xf32, #tpu.memory_space<vmem>>, vector<16xf32>,
      %swap3A_87 = arith.constant 672 : index
      %swap3A_88 = tpu.vector_load %arg10[%swap3A_87] {strides = array<i32>} : memref<800xf32, #tpu.memory_space<vmem>>, vector<16xf32>,
      tpu.vector_store %arg10[%swap3A_87], %broadcast_in_dim3A_3 {strides = array<i32>} : memref<800xf32, #tpu.memory_space<vmem>>, vector<16xf32>,
      %swap3A_89 = arith.constant 688 : index
      %swap3A_90 = tpu.vector_load %arg10[%swap3A_89] {strides = array<i32>} : memref<800xf32, #tpu.memory_space<vmem>>, vector<16xf32>,
      tpu.vector_store %arg10[%swap3A_89], %broadcast_in_dim3A_3 {strides = array<i32>} : memref<800xf32, #tpu.memory_space<vmem>>, vector<16xf32>,
      %swap3A_91 = arith.constant 704 : index
      %swap3A_92 = tpu.vector_load %arg10[%swap3A_91] {strides = array<i32>} : memref<800xf32, #tpu.memory_space<vmem>>, vector<16xf32>,
      tpu.vector_store %arg10[%swap3A_91], %broadcast_in_dim3A_3 {strides = array<i32>} : memref<800xf32, #tpu.memory_space<vmem>>, vector<16xf32>,
      %swap3A_93 = arith.constant 720 : index
      %swap3A_94 = tpu.vector_load %arg10[%swap3A_93] {strides = array<i32>} : memref<800xf32, #tpu.memory_space<vmem>>, vector<16xf32>,
      tpu.vector_store %arg10[%swap3A_93], %broadcast_in_dim3A_3 {strides = array<i32>} : memref<800xf32, #tpu.memory_space<vmem>>, vector<16xf32>,
      %swap3A_95 = arith.constant 736 : index
      %swap3A_96 = tpu.vector_load %arg10[%swap3A_95] {strides = array<i32>} : memref<800xf32, #tpu.memory_space<vmem>>, vector<16xf32>,
      tpu.vector_store %arg10[%swap3A_95], %broadcast_in_dim3A_3 {strides = array<i32>} : memref<800xf32, #tpu.memory_space<vmem>>, vector<16xf32>,
      %swap3A_97 = arith.constant 752 : index
      %swap3A_98 = tpu.vector_load %arg10[%swap3A_97] {strides = array<i32>} : memref<800xf32, #tpu.memory_space<vmem>>, vector<16xf32>,
      tpu.vector_store %arg10[%swap3A_97], %broadcast_in_dim3A_3 {strides = array<i32>} : memref<800xf32, #tpu.memory_space<vmem>>, vector<16xf32>,
      %swap3A_99 = arith.constant 768 : index
      %swap3A_100 = tpu.vector_load %arg10[%swap3A_99] {strides = array<i32>} : memref<800xf32, #tpu.memory_space<vmem>>, vector<16xf32>,
      tpu.vector_store %arg10[%swap3A_99], %broadcast_in_dim3A_3 {strides = array<i32>} : memref<800xf32, #tpu.memory_space<vmem>>, vector<16xf32>,
      %swap3A_101 = arith.constant 784 : index
      %swap3A_102 = tpu.vector_load %arg10[%swap3A_101] {strides = array<i32>} : memref<800xf32, #tpu.memory_space<vmem>>, vector<16xf32>,
      tpu.vector_store %arg10[%swap3A_101], %broadcast_in_dim3A_3 {strides = array<i32>} : memref<800xf32, #tpu.memory_space<vmem>>, vector<16xf32>,
      %broadcast_in_dim3A_103 = arith.constant 0 : i32
      %broadcast_in_dim3A_104 = vector.broadcast %broadcast_in_dim3A_103 : i32 to vector<16xi32>
      %swap3A_105 = arith.constant 0 : index
      %swap3A_106 = tpu.vector_load %arg11[%swap3A_105] {strides = array<i32>} : memref<16xi32, #tpu.memory_space<vmem>>, vector<16xi32>,
      tpu.vector_store %arg11[%swap3A_105], %broadcast_in_dim3A_104 {strides = array<i32>} : memref<16xi32, #tpu.memory_space<vmem>>, vector<16xi32>,
      %broadcast_in_dim3A_107 = arith.constant 1.000000e+30 : f32
      %broadcast_in_dim3A_108 = vector.broadcast %broadcast_in_dim3A_107 : f32 to vector<16xf32>
      %swap3A_109 = arith.constant 0 : i32
      %swap3A_110 = arith.index_cast %swap3A_109 : i32 to index
      %swap3A_111 = arith.constant 0 : index
      %swap3A_112 = tpu.vector_load %arg9[%swap3A_110, %swap3A_111] {strides = array<i32>} : memref<4x112xf32, #tpu.memory_space<vmem>>, vector<16xf32>,
      tpu.vector_store %arg9[%swap3A_110, %swap3A_111], %broadcast_in_dim3A_108 {strides = array<i32>} : memref<4x112xf32, #tpu.memory_space<vmem>>, vector<16xf32>,
      %swap3A_113 = arith.constant 0 : i32
      %swap3A_114 = arith.index_cast %swap3A_113 : i32 to index
      %swap3A_115 = arith.constant 16 : index
      %swap3A_116 = tpu.vector_load %arg9[%swap3A_114, %swap3A_115] {strides = array<i32>} : memref<4x112xf32, #tpu.memory_space<vmem>>, vector<16xf32>,
      tpu.vector_store %arg9[%swap3A_114, %swap3A_115], %broadcast_in_dim3A_108 {strides = array<i32>} : memref<4x112xf32, #tpu.memory_space<vmem>>, vector<16xf32>,
      %swap3A_117 = arith.constant 0 : i32
      %swap3A_118 = arith.index_cast %swap3A_117 : i32 to index
      %swap3A_119 = arith.constant 32 : index
      %swap3A_120 = tpu.vector_load %arg9[%swap3A_118, %swap3A_119] {strides = array<i32>} : memref<4x112xf32, #tpu.memory_space<vmem>>, vector<16xf32>,
      tpu.vector_store %arg9[%swap3A_118, %swap3A_119], %broadcast_in_dim3A_108 {strides = array<i32>} : memref<4x112xf32, #tpu.memory_space<vmem>>, vector<16xf32>,
      %swap3A_121 = arith.constant 0 : i32
      %swap3A_122 = arith.index_cast %swap3A_121 : i32 to index
      %swap3A_123 = arith.constant 48 : index
      %swap3A_124 = tpu.vector_load %arg9[%swap3A_122, %swap3A_123] {strides = array<i32>} : memref<4x112xf32, #tpu.memory_space<vmem>>, vector<16xf32>,
      tpu.vector_store %arg9[%swap3A_122, %swap3A_123], %broadcast_in_dim3A_108 {strides = array<i32>} : memref<4x112xf32, #tpu.memory_space<vmem>>, vector<16xf32>,
      %swap3A_125 = arith.constant 0 : i32
      %swap3A_126 = arith.index_cast %swap3A_125 : i32 to index
      %swap3A_127 = arith.constant 64 : index
      %swap3A_128 = tpu.vector_load %arg9[%swap3A_126, %swap3A_127] {strides = array<i32>} : memref<4x112xf32, #tpu.memory_space<vmem>>, vector<16xf32>,
      tpu.vector_store %arg9[%swap3A_126, %swap3A_127], %broadcast_in_dim3A_108 {strides = array<i32>} : memref<4x112xf32, #tpu.memory_space<vmem>>, vector<16xf32>,
      %swap3A_129 = arith.constant 0 : i32
      %swap3A_130 = arith.index_cast %swap3A_129 : i32 to index
      %swap3A_131 = arith.constant 80 : index
      %swap3A_132 = tpu.vector_load %arg9[%swap3A_130, %swap3A_131] {strides = array<i32>} : memref<4x112xf32, #tpu.memory_space<vmem>>, vector<16xf32>,
      tpu.vector_store %arg9[%swap3A_130, %swap3A_131], %broadcast_in_dim3A_108 {strides = array<i32>} : memref<4x112xf32, #tpu.memory_space<vmem>>, vector<16xf32>,
      %swap3A_133 = arith.constant 0 : i32
      %swap3A_134 = arith.index_cast %swap3A_133 : i32 to index
      %swap3A_135 = arith.constant 96 : index
      %swap3A_136 = tpu.vector_load %arg9[%swap3A_134, %swap3A_135] {strides = array<i32>} : memref<4x112xf32, #tpu.memory_space<vmem>>, vector<16xf32>,
      tpu.vector_store %arg9[%swap3A_134, %swap3A_135], %broadcast_in_dim3A_108 {strides = array<i32>} : memref<4x112xf32, #tpu.memory_space<vmem>>, vector<16xf32>,
      %swap3A_137 = arith.constant 1 : i32
      %swap3A_138 = arith.index_cast %swap3A_137 : i32 to index
      %swap3A_139 = arith.constant 0 : index
      %swap3A_140 = tpu.vector_load %arg9[%swap3A_138, %swap3A_139] {strides = array<i32>} : memref<4x112xf32, #tpu.memory_space<vmem>>, vector<16xf32>,
      tpu.vector_store %arg9[%swap3A_138, %swap3A_139], %broadcast_in_dim3A_108 {strides = array<i32>} : memref<4x112xf32, #tpu.memory_space<vmem>>, vector<16xf32>,
      %swap3A_141 = arith.constant 1 : i32
      %swap3A_142 = arith.index_cast %swap3A_141 : i32 to index
      %swap3A_143 = arith.constant 16 : index
      %swap3A_144 = tpu.vector_load %arg9[%swap3A_142, %swap3A_143] {strides = array<i32>} : memref<4x112xf32, #tpu.memory_space<vmem>>, vector<16xf32>,
      tpu.vector_store %arg9[%swap3A_142, %swap3A_143], %broadcast_in_dim3A_108 {strides = array<i32>} : memref<4x112xf32, #tpu.memory_space<vmem>>, vector<16xf32>,
      %swap3A_145 = arith.constant 1 : i32
      %swap3A_146 = arith.index_cast %swap3A_145 : i32 to index
      %swap3A_147 = arith.constant 32 : index
      %swap3A_148 = tpu.vector_load %arg9[%swap3A_146, %swap3A_147] {strides = array<i32>} : memref<4x112xf32, #tpu.memory_space<vmem>>, vector<16xf32>,
      tpu.vector_store %arg9[%swap3A_146, %swap3A_147], %broadcast_in_dim3A_108 {strides = array<i32>} : memref<4x112xf32, #tpu.memory_space<vmem>>, vector<16xf32>,
      %swap3A_149 = arith.constant 1 : i32
      %swap3A_150 = arith.index_cast %swap3A_149 : i32 to index
      %swap3A_151 = arith.constant 48 : index
      %swap3A_152 = tpu.vector_load %arg9[%swap3A_150, %swap3A_151] {strides = array<i32>} : memref<4x112xf32, #tpu.memory_space<vmem>>, vector<16xf32>,
      tpu.vector_store %arg9[%swap3A_150, %swap3A_151], %broadcast_in_dim3A_108 {strides = array<i32>} : memref<4x112xf32, #tpu.memory_space<vmem>>, vector<16xf32>,
      %swap3A_153 = arith.constant 1 : i32
      %swap3A_154 = arith.index_cast %swap3A_153 : i32 to index
      %swap3A_155 = arith.constant 64 : index
      %swap3A_156 = tpu.vector_load %arg9[%swap3A_154, %swap3A_155] {strides = array<i32>} : memref<4x112xf32, #tpu.memory_space<vmem>>, vector<16xf32>,
      tpu.vector_store %arg9[%swap3A_154, %swap3A_155], %broadcast_in_dim3A_108 {strides = array<i32>} : memref<4x112xf32, #tpu.memory_space<vmem>>, vector<16xf32>,
      %swap3A_157 = arith.constant 1 : i32
      %swap3A_158 = arith.index_cast %swap3A_157 : i32 to index
      %swap3A_159 = arith.constant 80 : index
      %swap3A_160 = tpu.vector_load %arg9[%swap3A_158, %swap3A_159] {strides = array<i32>} : memref<4x112xf32, #tpu.memory_space<vmem>>, vector<16xf32>,
      tpu.vector_store %arg9[%swap3A_158, %swap3A_159], %broadcast_in_dim3A_108 {strides = array<i32>} : memref<4x112xf32, #tpu.memory_space<vmem>>, vector<16xf32>,
      %swap3A_161 = arith.constant 1 : i32
      %swap3A_162 = arith.index_cast %swap3A_161 : i32 to index
      %swap3A_163 = arith.constant 96 : index
      %swap3A_164 = tpu.vector_load %arg9[%swap3A_162, %swap3A_163] {strides = array<i32>} : memref<4x112xf32, #tpu.memory_space<vmem>>, vector<16xf32>,
      tpu.vector_store %arg9[%swap3A_162, %swap3A_163], %broadcast_in_dim3A_108 {strides = array<i32>} : memref<4x112xf32, #tpu.memory_space<vmem>>, vector<16xf32>,
      %swap3A_165 = arith.constant 2 : i32
      %swap3A_166 = arith.index_cast %swap3A_165 : i32 to index
      %swap3A_167 = arith.constant 0 : index
      %swap3A_168 = tpu.vector_load %arg9[%swap3A_166, %swap3A_167] {strides = array<i32>} : memref<4x112xf32, #tpu.memory_space<vmem>>, vector<16xf32>,
      tpu.vector_store %arg9[%swap3A_166, %swap3A_167], %broadcast_in_dim3A_108 {strides = array<i32>} : memref<4x112xf32, #tpu.memory_space<vmem>>, vector<16xf32>,
      %swap3A_169 = arith.constant 2 : i32
      %swap3A_170 = arith.index_cast %swap3A_169 : i32 to index
      %swap3A_171 = arith.constant 16 : index
      %swap3A_172 = tpu.vector_load %arg9[%swap3A_170, %swap3A_171] {strides = array<i32>} : memref<4x112xf32, #tpu.memory_space<vmem>>, vector<16xf32>,
      tpu.vector_store %arg9[%swap3A_170, %swap3A_171], %broadcast_in_dim3A_108 {strides = array<i32>} : memref<4x112xf32, #tpu.memory_space<vmem>>, vector<16xf32>,
      %swap3A_173 = arith.constant 2 : i32
      %swap3A_174 = arith.index_cast %swap3A_173 : i32 to index
      %swap3A_175 = arith.constant 32 : index
      %swap3A_176 = tpu.vector_load %arg9[%swap3A_174, %swap3A_175] {strides = array<i32>} : memref<4x112xf32, #tpu.memory_space<vmem>>, vector<16xf32>,
      tpu.vector_store %arg9[%swap3A_174, %swap3A_175], %broadcast_in_dim3A_108 {strides = array<i32>} : memref<4x112xf32, #tpu.memory_space<vmem>>, vector<16xf32>,
      %swap3A_177 = arith.constant 2 : i32
      %swap3A_178 = arith.index_cast %swap3A_177 : i32 to index
      %swap3A_179 = arith.constant 48 : index
      %swap3A_180 = tpu.vector_load %arg9[%swap3A_178, %swap3A_179] {strides = array<i32>} : memref<4x112xf32, #tpu.memory_space<vmem>>, vector<16xf32>,
      tpu.vector_store %arg9[%swap3A_178, %swap3A_179], %broadcast_in_dim3A_108 {strides = array<i32>} : memref<4x112xf32, #tpu.memory_space<vmem>>, vector<16xf32>,
      %swap3A_181 = arith.constant 2 : i32
      %swap3A_182 = arith.index_cast %swap3A_181 : i32 to index
      %swap3A_183 = arith.constant 64 : index
      %swap3A_184 = tpu.vector_load %arg9[%swap3A_182, %swap3A_183] {strides = array<i32>} : memref<4x112xf32, #tpu.memory_space<vmem>>, vector<16xf32>,
      tpu.vector_store %arg9[%swap3A_182, %swap3A_183], %broadcast_in_dim3A_108 {strides = array<i32>} : memref<4x112xf32, #tpu.memory_space<vmem>>, vector<16xf32>,
      %swap3A_185 = arith.constant 2 : i32
      %swap3A_186 = arith.index_cast %swap3A_185 : i32 to index
      %swap3A_187 = arith.constant 80 : index
      %swap3A_188 = tpu.vector_load %arg9[%swap3A_186, %swap3A_187] {strides = array<i32>} : memref<4x112xf32, #tpu.memory_space<vmem>>, vector<16xf32>,
      tpu.vector_store %arg9[%swap3A_186, %swap3A_187], %broadcast_in_dim3A_108 {strides = array<i32>} : memref<4x112xf32, #tpu.memory_space<vmem>>, vector<16xf32>,
      %swap3A_189 = arith.constant 2 : i32
      %swap3A_190 = arith.index_cast %swap3A_189 : i32 to index
      %swap3A_191 = arith.constant 96 : index
      %swap3A_192 = tpu.vector_load %arg9[%swap3A_190, %swap3A_191] {strides = array<i32>} : memref<4x112xf32, #tpu.memory_space<vmem>>, vector<16xf32>,
      tpu.vector_store %arg9[%swap3A_190, %swap3A_191], %broadcast_in_dim3A_108 {strides = array<i32>} : memref<4x112xf32, #tpu.memory_space<vmem>>, vector<16xf32>,
      %swap3A_193 = arith.constant 3 : i32
      %swap3A_194 = arith.index_cast %swap3A_193 : i32 to index
      %swap3A_195 = arith.constant 0 : index
      %swap3A_196 = tpu.vector_load %arg9[%swap3A_194, %swap3A_195] {strides = array<i32>} : memref<4x112xf32, #tpu.memory_space<vmem>>, vector<16xf32>,
      tpu.vector_store %arg9[%swap3A_194, %swap3A_195], %broadcast_in_dim3A_108 {strides = array<i32>} : memref<4x112xf32, #tpu.memory_space<vmem>>, vector<16xf32>,
      %swap3A_197 = arith.constant 3 : i32
      %swap3A_198 = arith.index_cast %swap3A_197 : i32 to index
      %swap3A_199 = arith.constant 16 : index
      %swap3A_200 = tpu.vector_load %arg9[%swap3A_198, %swap3A_199] {strides = array<i32>} : memref<4x112xf32, #tpu.memory_space<vmem>>, vector<16xf32>,
      tpu.vector_store %arg9[%swap3A_198, %swap3A_199], %broadcast_in_dim3A_108 {strides = array<i32>} : memref<4x112xf32, #tpu.memory_space<vmem>>, vector<16xf32>,
      %swap3A_201 = arith.constant 3 : i32
      %swap3A_202 = arith.index_cast %swap3A_201 : i32 to index
      %swap3A_203 = arith.constant 32 : index
      %swap3A_204 = tpu.vector_load %arg9[%swap3A_202, %swap3A_203] {strides = array<i32>} : memref<4x112xf32, #tpu.memory_space<vmem>>, vector<16xf32>,
      tpu.vector_store %arg9[%swap3A_202, %swap3A_203], %broadcast_in_dim3A_108 {strides = array<i32>} : memref<4x112xf32, #tpu.memory_space<vmem>>, vector<16xf32>,
      %swap3A_205 = arith.constant 3 : i32
      %swap3A_206 = arith.index_cast %swap3A_205 : i32 to index
      %swap3A_207 = arith.constant 48 : index
      %swap3A_208 = tpu.vector_load %arg9[%swap3A_206, %swap3A_207] {strides = array<i32>} : memref<4x112xf32, #tpu.memory_space<vmem>>, vector<16xf32>,
      tpu.vector_store %arg9[%swap3A_206, %swap3A_207], %broadcast_in_dim3A_108 {strides = array<i32>} : memref<4x112xf32, #tpu.memory_space<vmem>>, vector<16xf32>,
      %swap3A_209 = arith.constant 3 : i32
      %swap3A_210 = arith.index_cast %swap3A_209 : i32 to index
      %swap3A_211 = arith.constant 64 : index
      %swap3A_212 = tpu.vector_load %arg9[%swap3A_210, %swap3A_211] {strides = array<i32>} : memref<4x112xf32, #tpu.memory_space<vmem>>, vector<16xf32>,
      tpu.vector_store %arg9[%swap3A_210, %swap3A_211], %broadcast_in_dim3A_108 {strides = array<i32>} : memref<4x112xf32, #tpu.memory_space<vmem>>, vector<16xf32>,
      %swap3A_213 = arith.constant 3 : i32
      %swap3A_214 = arith.index_cast %swap3A_213 : i32 to index
      %swap3A_215 = arith.constant 80 : index
      %swap3A_216 = tpu.vector_load %arg9[%swap3A_214, %swap3A_215] {strides = array<i32>} : memref<4x112xf32, #tpu.memory_space<vmem>>, vector<16xf32>,
      tpu.vector_store %arg9[%swap3A_214, %swap3A_215], %broadcast_in_dim3A_108 {strides = array<i32>} : memref<4x112xf32, #tpu.memory_space<vmem>>, vector<16xf32>,
      %swap3A_217 = arith.constant 3 : i32
      %swap3A_218 = arith.index_cast %swap3A_217 : i32 to index
      %swap3A_219 = arith.constant 96 : index
      %swap3A_220 = tpu.vector_load %arg9[%swap3A_218, %swap3A_219] {strides = array<i32>} : memref<4x112xf32, #tpu.memory_space<vmem>>, vector<16xf32>,
      tpu.vector_store %arg9[%swap3A_218, %swap3A_219], %broadcast_in_dim3A_108 {strides = array<i32>} : memref<4x112xf32, #tpu.memory_space<vmem>>, vector<16xf32>,
      %iota3A = tpu.iota {dimensions = array<i32: 0>} : vector<16xi32>
      %scan3A = arith.constant 0 : i32
      %scan3A_221 = arith.constant 0 : i32
      %scan3A_222 = arith.constant 80 : i32
      %scan3A_223 = arith.addi %scan3A_221, %scan3A_222 : i32
      %scan3A_224 = arith.constant 1 : i32
      %scan3A_225 = scf.for %scan3A_236 = %scan3A_221 to %scan3A_223 step %scan3A_224 iter_args(%scan3A_237 = %scan3A) -> (i32)  : i32 {
        %mul3A_238 = arith.constant 2 : i32
        %mul3A_239 = arith.muli %mul3A_238, %scan3A_236 : i32
        %get3A = arith.index_cast %mul3A_239 : i32 to index
        %get3A_240 = arith.constant 0 : index
        %get3A_241 = tpu.vector_load %arg6[%get3A, %get3A_240] {strides = array<i32>} : memref<160x128xf32, #tpu.memory_space<vmem>>, vector<16xf32>,
        %mul3A_242 = arith.constant 2 : i32
        %mul3A_243 = arith.muli %mul3A_242, %scan3A_236 : i32
        %add3A_244 = arith.constant 0 : i32
        %add3A_245 = arith.addi %mul3A_243, %add3A_244 : i32
        %get3A_246 = arith.index_cast %add3A_245 : i32 to index
        %get3A_247 = arith.constant 16 : index
        %get3A_248 = tpu.vector_load %arg6[%get3A_246, %get3A_247] {strides = array<i32>} : memref<160x128xf32, #tpu.memory_space<vmem>>, vector<16xf32>,
        %max3A = arith.maximumf %get3A_241, %get3A_248 : vector<16xf32>
        %mul3A_249 = arith.constant 2 : i32
        %mul3A_250 = arith.muli %mul3A_249, %scan3A_236 : i32
        %add3A_251 = arith.constant 0 : i32
        %add3A_252 = arith.addi %mul3A_250, %add3A_251 : i32
        %get3A_253 = arith.index_cast %add3A_252 : i32 to index
        %get3A_254 = arith.constant 32 : index
        %get3A_255 = tpu.vector_load %arg6[%get3A_253, %get3A_254] {strides = array<i32>} : memref<160x128xf32, #tpu.memory_space<vmem>>, vector<16xf32>,
        %max3A_256 = arith.maximumf %max3A, %get3A_255 : vector<16xf32>
        %mul3A_257 = arith.constant 2 : i32
        %mul3A_258 = arith.muli %mul3A_257, %scan3A_236 : i32
        %add3A_259 = arith.constant 0 : i32
        %add3A_260 = arith.addi %mul3A_258, %add3A_259 : i32
        %get3A_261 = arith.index_cast %add3A_260 : i32 to index
        %get3A_262 = arith.constant 48 : index
        %get3A_263 = tpu.vector_load %arg6[%get3A_261, %get3A_262] {strides = array<i32>} : memref<160x128xf32, #tpu.memory_space<vmem>>, vector<16xf32>,
        %max3A_264 = arith.maximumf %max3A_256, %get3A_263 : vector<16xf32>
        %mul3A_265 = arith.constant 2 : i32
        %mul3A_266 = arith.muli %mul3A_265, %scan3A_236 : i32
        %add3A_267 = arith.constant 0 : i32
        %add3A_268 = arith.addi %mul3A_266, %add3A_267 : i32
        %get3A_269 = arith.index_cast %add3A_268 : i32 to index
        %get3A_270 = arith.constant 64 : index
        %get3A_271 = tpu.vector_load %arg6[%get3A_269, %get3A_270] {strides = array<i32>} : memref<160x128xf32, #tpu.memory_space<vmem>>, vector<16xf32>,
        %max3A_272 = arith.maximumf %max3A_264, %get3A_271 : vector<16xf32>
        %mul3A_273 = arith.constant 2 : i32
        %mul3A_274 = arith.muli %mul3A_273, %scan3A_236 : i32
        %add3A_275 = arith.constant 0 : i32
        %add3A_276 = arith.addi %mul3A_274, %add3A_275 : i32
        %get3A_277 = arith.index_cast %add3A_276 : i32 to index
        %get3A_278 = arith.constant 80 : index
        %get3A_279 = tpu.vector_load %arg6[%get3A_277, %get3A_278] {strides = array<i32>} : memref<160x128xf32, #tpu.memory_space<vmem>>, vector<16xf32>,
        %max3A_280 = arith.maximumf %max3A_272, %get3A_279 : vector<16xf32>
        %mul3A_281 = arith.constant 2 : i32
        %mul3A_282 = arith.muli %mul3A_281, %scan3A_236 : i32
        %add3A_283 = arith.constant 0 : i32
        %add3A_284 = arith.addi %mul3A_282, %add3A_283 : i32
        %get3A_285 = arith.index_cast %add3A_284 : i32 to index
        %get3A_286 = arith.constant 96 : index
        %get3A_287 = tpu.vector_load %arg6[%get3A_285, %get3A_286] {strides = array<i32>} : memref<160x128xf32, #tpu.memory_space<vmem>>, vector<16xf32>,
        %max3A_288 = arith.maximumf %max3A_280, %get3A_287 : vector<16xf32>
        %mul3A_289 = arith.constant 2 : i32
        %mul3A_290 = arith.muli %mul3A_289, %scan3A_236 : i32
        %add3A_291 = arith.constant 0 : i32
        %add3A_292 = arith.addi %mul3A_290, %add3A_291 : i32
        %get3A_293 = arith.index_cast %add3A_292 : i32 to index
        %get3A_294 = arith.constant 112 : index
        %get3A_295 = tpu.vector_load %arg6[%get3A_293, %get3A_294] {strides = array<i32>} : memref<160x128xf32, #tpu.memory_space<vmem>>, vector<16xf32>,
        %max3A_296 = arith.maximumf %max3A_288, %get3A_295 : vector<16xf32>
        %mul3A_297 = arith.constant 2 : i32
        %mul3A_298 = arith.muli %mul3A_297, %scan3A_236 : i32
        %add3A_299 = arith.constant 1 : i32
        %add3A_300 = arith.addi %mul3A_298, %add3A_299 : i32
        %get3A_301 = arith.index_cast %add3A_300 : i32 to index
        %get3A_302 = arith.constant 0 : index
        %get3A_303 = tpu.vector_load %arg6[%get3A_301, %get3A_302] {strides = array<i32>} : memref<160x128xf32, #tpu.memory_space<vmem>>, vector<16xf32>,
        %max3A_304 = arith.maximumf %max3A_296, %get3A_303 : vector<16xf32>
        %mul3A_305 = arith.constant 2 : i32
        %mul3A_306 = arith.muli %mul3A_305, %scan3A_236 : i32
        %add3A_307 = arith.constant 1 : i32
        %add3A_308 = arith.addi %mul3A_306, %add3A_307 : i32
        %get3A_309 = arith.index_cast %add3A_308 : i32 to index
        %get3A_310 = arith.constant 16 : index
        %get3A_311 = tpu.vector_load %arg6[%get3A_309, %get3A_310] {strides = array<i32>} : memref<160x128xf32, #tpu.memory_space<vmem>>, vector<16xf32>,
        %max3A_312 = arith.maximumf %max3A_304, %get3A_311 : vector<16xf32>
        %mul3A_313 = arith.constant 2 : i32
        %mul3A_314 = arith.muli %mul3A_313, %scan3A_236 : i32
        %add3A_315 = arith.constant 1 : i32
        %add3A_316 = arith.addi %mul3A_314, %add3A_315 : i32
        %get3A_317 = arith.index_cast %add3A_316 : i32 to index
        %get3A_318 = arith.constant 32 : index
        %get3A_319 = tpu.vector_load %arg6[%get3A_317, %get3A_318] {strides = array<i32>} : memref<160x128xf32, #tpu.memory_space<vmem>>, vector<16xf32>,
        %max3A_320 = arith.maximumf %max3A_312, %get3A_319 : vector<16xf32>
        %mul3A_321 = arith.constant 2 : i32
        %mul3A_322 = arith.muli %mul3A_321, %scan3A_236 : i32
        %add3A_323 = arith.constant 1 : i32
        %add3A_324 = arith.addi %mul3A_322, %add3A_323 : i32
        %get3A_325 = arith.index_cast %add3A_324 : i32 to index
        %get3A_326 = arith.constant 48 : index
        %get3A_327 = tpu.vector_load %arg6[%get3A_325, %get3A_326] {strides = array<i32>} : memref<160x128xf32, #tpu.memory_space<vmem>>, vector<16xf32>,
        %max3A_328 = arith.maximumf %max3A_320, %get3A_327 : vector<16xf32>
        %mul3A_329 = arith.constant 2 : i32
        %mul3A_330 = arith.muli %mul3A_329, %scan3A_236 : i32
        %add3A_331 = arith.constant 1 : i32
        %add3A_332 = arith.addi %mul3A_330, %add3A_331 : i32
        %get3A_333 = arith.index_cast %add3A_332 : i32 to index
        %get3A_334 = arith.constant 64 : index
        %get3A_335 = tpu.vector_load %arg6[%get3A_333, %get3A_334] {strides = array<i32>} : memref<160x128xf32, #tpu.memory_space<vmem>>, vector<16xf32>,
        %max3A_336 = arith.maximumf %max3A_328, %get3A_335 : vector<16xf32>
        %mul3A_337 = arith.constant 2 : i32
        %mul3A_338 = arith.muli %mul3A_337, %scan3A_236 : i32
        %add3A_339 = arith.constant 1 : i32
        %add3A_340 = arith.addi %mul3A_338, %add3A_339 : i32
        %get3A_341 = arith.index_cast %add3A_340 : i32 to index
        %get3A_342 = arith.constant 80 : index
        %get3A_343 = tpu.vector_load %arg6[%get3A_341, %get3A_342] {strides = array<i32>} : memref<160x128xf32, #tpu.memory_space<vmem>>, vector<16xf32>,
        %max3A_344 = arith.maximumf %max3A_336, %get3A_343 : vector<16xf32>
        %mul3A_345 = arith.constant 2 : i32
        %mul3A_346 = arith.muli %mul3A_345, %scan3A_236 : i32
        %add3A_347 = arith.constant 1 : i32
        %add3A_348 = arith.addi %mul3A_346, %add3A_347 : i32
        %get3A_349 = arith.index_cast %add3A_348 : i32 to index
        %get3A_350 = arith.constant 96 : index
        %get3A_351 = tpu.vector_load %arg6[%get3A_349, %get3A_350] {strides = array<i32>} : memref<160x128xf32, #tpu.memory_space<vmem>>, vector<16xf32>,
        %max3A_352 = arith.maximumf %max3A_344, %get3A_351 : vector<16xf32>
        %mul3A_353 = arith.constant 2 : i32
        %mul3A_354 = arith.muli %mul3A_353, %scan3A_236 : i32
        %add3A_355 = arith.constant 1 : i32
        %add3A_356 = arith.addi %mul3A_354, %add3A_355 : i32
        %get3A_357 = arith.index_cast %add3A_356 : i32 to index
        %get3A_358 = arith.constant 112 : index
        %get3A_359 = tpu.vector_load %arg6[%get3A_357, %get3A_358] {strides = array<i32>} : memref<160x128xf32, #tpu.memory_space<vmem>>, vector<16xf32>,
        %max3A_360 = arith.maximumf %max3A_352, %get3A_359 : vector<16xf32>
        %reduce_max3A = arith.constant true
        %reduce_max3A_361 = vector.broadcast %reduce_max3A : i1 to vector<16xi1>
        %reduce_max3A_362 = tpu.scan <max>, %max3A_360 masked %reduce_max3A_361 : vector<16xf32>, vector<16xi1> -> vector<16xf32>
        %reduce_max3A_363 = vector.extract %reduce_max3A_362[15] : f32 from vector<16xf32>
        %jit3A_364 = arith.constant 16 : i32
        %div3A = arith.divsi %scan3A_236, %jit3A_364 : i32
        %sign3A = arith.constant 0 : i32
        %sign3A_365 = arith.cmpi sgt, %scan3A_236, %sign3A : i32
        %sign3A_366 = arith.extui %sign3A_365 : i1 to i32
        %sign3A_367 = arith.constant 0 : i32
        %sign3A_368 = arith.cmpi slt, %scan3A_236, %sign3A_367 : i32
        %sign3A_369 = arith.extui %sign3A_368 : i1 to i32
        %sign3A_370 = arith.subi %sign3A_366, %sign3A_369 : i32
        %sign3A_371 = arith.constant 0 : i32
        %sign3A_372 = arith.cmpi sgt, %jit3A_364, %sign3A_371 : i32
        %sign3A_373 = arith.extui %sign3A_372 : i1 to i32
        %sign3A_374 = arith.constant 0 : i32
        %sign3A_375 = arith.cmpi slt, %jit3A_364, %sign3A_374 : i32
        %sign3A_376 = arith.extui %sign3A_375 : i1 to i32
        %sign3A_377 = arith.subi %sign3A_373, %sign3A_376 : i32
        %ne3A = arith.cmpi ne, %sign3A_370, %sign3A_377 : i32
        %rem3A = arith.remsi %scan3A_236, %jit3A_364 : i32
        %ne3A_378 = arith.constant 0 : i32
        %ne3A_379 = arith.cmpi ne, %rem3A, %ne3A_378 : i32
        %and3A = arith.andi %ne3A, %ne3A_379 : i1
        %sub3A = arith.constant 1 : i32
        %sub3A_380 = arith.subi %div3A, %sub3A : i32
        %select_n3A_381 = arith.select %and3A, %sub3A_380, %div3A : i32
        %mul3A_382 = arith.constant 16 : i32
        %mul3A_383 = arith.muli %select_n3A_381, %mul3A_382 : i32
        %jit3A_384 = arith.constant 16 : i32
        %eq3A_385 = arith.constant 0 : i32
        %eq3A_386 = arith.cmpi eq, %jit3A_384, %eq3A_385 : i32
        %jit3A_387 = arith.constant 1 : i32
        %select_n3A_388 = arith.select %eq3A_386, %jit3A_387, %jit3A_384 : i32
        %rem3A_389 = arith.remsi %scan3A_236, %select_n3A_388 : i32
        %ne3A_390 = arith.constant 0 : i32
        %ne3A_391 = arith.cmpi ne, %rem3A_389, %ne3A_390 : i32
        %lt3A_392 = arith.constant 0 : i32
        %lt3A_393 = arith.cmpi slt, %rem3A_389, %lt3A_392 : i32
        %lt3A_394 = arith.constant 0 : i32
        %lt3A_395 = arith.cmpi slt, %select_n3A_388, %lt3A_394 : i32
        %ne3A_396 = arith.xori %lt3A_393, %lt3A_395 : i1
        %and3A_397 = arith.andi %ne3A_396, %ne3A_391 : i1
        %add3A_398 = arith.addi %rem3A_389, %select_n3A_388 : i32
        %select_n3A_399 = arith.select %and3A_397, %add3A_398, %rem3A_389 : i32
        %get3A_400 = arith.index_cast %mul3A_383 : i32 to index
        %get3A_401 = tpu.vector_load %arg8[%get3A_400] {strides = array<i32>} : memref<80xf32, #tpu.memory_space<vmem>>, vector<16xf32>,
        %eq3A_402 = vector.broadcast %select_n3A_399 : i32 to vector<16xi32>
        %eq3A_403 = arith.cmpi eq, %iota3A, %eq3A_402 : vector<16xi32>
        %broadcast_in_dim3A_404 = vector.broadcast %reduce_max3A_363 : f32 to vector<16xf32>
        %select_n3A_405 = arith.select %eq3A_403, %broadcast_in_dim3A_404, %get3A_401 : vector<16xi1>, vector<16xf32>
        %swap3A_406 = arith.index_cast %mul3A_383 : i32 to index
        %swap3A_407 = tpu.vector_load %arg8[%swap3A_406] {strides = array<i32>} : memref<80xf32, #tpu.memory_space<vmem>>, vector<16xf32>,
        tpu.vector_store %arg8[%swap3A_406], %select_n3A_405 {strides = array<i32>} : memref<80xf32, #tpu.memory_space<vmem>>, vector<16xf32>,
        %scan3A_408 = arith.constant 0 : i32
        scf.yield %scan3A_408 : i32
      }
      %scan3A_226 = arith.constant 80 : i32
      %while3A = arith.constant 1073741824 : i32
      %while3A_227 = arith.constant 0 : i32
      %while3A_228 = arith.constant 1 : i32
      %while3A_229:2 = scf.while (%while3A_236 = %while3A_227, %while3A_237 = %while3A_228) : (i32, i32) -> (i32, i32) {
        %gt3A = arith.constant 0 : i32
        %gt3A_238 = arith.cmpi sgt, %while3A_237, %gt3A : i32
        %lt3A_239 = arith.constant 100 : i32
        %lt3A_240 = arith.cmpi slt, %while3A_236, %lt3A_239 : i32
        %and3A = arith.andi %gt3A_238, %lt3A_240 : i1
        scf.condition(%and3A) %while3A_236, %while3A_237 : i32, i32
      } do {
      ^bb0(%while3A_236: i32, %while3A_237: i32):
        %get3A = arith.constant 0 : index
        %get3A_238 = tpu.vector_load %arg8[%get3A] {strides = array<i32>} : memref<80xf32, #tpu.memory_space<vmem>>, vector<16xf32>,
        %get3A_239 = arith.constant 16 : index
        %get3A_240 = tpu.vector_load %arg8[%get3A_239] {strides = array<i32>} : memref<80xf32, #tpu.memory_space<vmem>>, vector<16xf32>,
        %max3A = arith.maximumf %get3A_238, %get3A_240 : vector<16xf32>
        %get3A_241 = arith.constant 32 : index
        %get3A_242 = tpu.vector_load %arg8[%get3A_241] {strides = array<i32>} : memref<80xf32, #tpu.memory_space<vmem>>, vector<16xf32>,
        %max3A_243 = arith.maximumf %max3A, %get3A_242 : vector<16xf32>
        %get3A_244 = arith.constant 48 : index
        %get3A_245 = tpu.vector_load %arg8[%get3A_244] {strides = array<i32>} : memref<80xf32, #tpu.memory_space<vmem>>, vector<16xf32>,
        %max3A_246 = arith.maximumf %max3A_243, %get3A_245 : vector<16xf32>
        %get3A_247 = arith.constant 64 : index
        %get3A_248 = tpu.vector_load %arg8[%get3A_247] {strides = array<i32>} : memref<80xf32, #tpu.memory_space<vmem>>, vector<16xf32>,
        %max3A_249 = arith.maximumf %max3A_246, %get3A_248 : vector<16xf32>
        %reduce_max3A = arith.constant true
        %reduce_max3A_250 = vector.broadcast %reduce_max3A : i1 to vector<16xi1>
        %reduce_max3A_251 = tpu.scan <max>, %max3A_249 masked %reduce_max3A_250 : vector<16xf32>, vector<16xi1> -> vector<16xf32>
        %reduce_max3A_252 = vector.extract %reduce_max3A_251[15] : f32 from vector<16xf32>
        %broadcast_in_dim3A_253 = vector.broadcast %while3A : i32 to vector<16xi32>
        %get3A_254 = arith.constant 0 : index
        %get3A_255 = tpu.vector_load %arg8[%get3A_254] {strides = array<i32>} : memref<80xf32, #tpu.memory_space<vmem>>, vector<16xf32>,
        %eq3A_256 = vector.broadcast %reduce_max3A_252 : f32 to vector<16xf32>
        %eq3A_257 = arith.cmpf oeq, %get3A_255, %eq3A_256 : vector<16xf32>
        %add3A_258 = arith.constant 0 : i32
        %add3A_259 = vector.broadcast %add3A_258 : i32 to vector<16xi32>
        %add3A_260 = arith.addi %iota3A, %add3A_259 : vector<16xi32>
        %broadcast_in_dim3A_261 = vector.broadcast %while3A : i32 to vector<16xi32>
        %select_n3A_262 = arith.select %eq3A_257, %add3A_260, %broadcast_in_dim3A_261 : vector<16xi1>, vector<16xi32>
        %min3A = arith.minsi %broadcast_in_dim3A_253, %select_n3A_262 : vector<16xi32>
        %get3A_263 = arith.constant 16 : index
        %get3A_264 = tpu.vector_load %arg8[%get3A_263] {strides = array<i32>} : memref<80xf32, #tpu.memory_space<vmem>>, vector<16xf32>,
        %eq3A_265 = vector.broadcast %reduce_max3A_252 : f32 to vector<16xf32>
        %eq3A_266 = arith.cmpf oeq, %get3A_264, %eq3A_265 : vector<16xf32>
        %add3A_267 = arith.constant 16 : i32
        %add3A_268 = vector.broadcast %add3A_267 : i32 to vector<16xi32>
        %add3A_269 = arith.addi %iota3A, %add3A_268 : vector<16xi32>
        %broadcast_in_dim3A_270 = vector.broadcast %while3A : i32 to vector<16xi32>
        %select_n3A_271 = arith.select %eq3A_266, %add3A_269, %broadcast_in_dim3A_270 : vector<16xi1>, vector<16xi32>
        %min3A_272 = arith.minsi %min3A, %select_n3A_271 : vector<16xi32>
        %get3A_273 = arith.constant 32 : index
        %get3A_274 = tpu.vector_load %arg8[%get3A_273] {strides = array<i32>} : memref<80xf32, #tpu.memory_space<vmem>>, vector<16xf32>,
        %eq3A_275 = vector.broadcast %reduce_max3A_252 : f32 to vector<16xf32>
        %eq3A_276 = arith.cmpf oeq, %get3A_274, %eq3A_275 : vector<16xf32>
        %add3A_277 = arith.constant 32 : i32
        %add3A_278 = vector.broadcast %add3A_277 : i32 to vector<16xi32>
        %add3A_279 = arith.addi %iota3A, %add3A_278 : vector<16xi32>
        %broadcast_in_dim3A_280 = vector.broadcast %while3A : i32 to vector<16xi32>
        %select_n3A_281 = arith.select %eq3A_276, %add3A_279, %broadcast_in_dim3A_280 : vector<16xi1>, vector<16xi32>
        %min3A_282 = arith.minsi %min3A_272, %select_n3A_281 : vector<16xi32>
        %get3A_283 = arith.constant 48 : index
        %get3A_284 = tpu.vector_load %arg8[%get3A_283] {strides = array<i32>} : memref<80xf32, #tpu.memory_space<vmem>>, vector<16xf32>,
        %eq3A_285 = vector.broadcast %reduce_max3A_252 : f32 to vector<16xf32>
        %eq3A_286 = arith.cmpf oeq, %get3A_284, %eq3A_285 : vector<16xf32>
        %add3A_287 = arith.constant 48 : i32
        %add3A_288 = vector.broadcast %add3A_287 : i32 to vector<16xi32>
        %add3A_289 = arith.addi %iota3A, %add3A_288 : vector<16xi32>
        %broadcast_in_dim3A_290 = vector.broadcast %while3A : i32 to vector<16xi32>
        %select_n3A_291 = arith.select %eq3A_286, %add3A_289, %broadcast_in_dim3A_290 : vector<16xi1>, vector<16xi32>
        %min3A_292 = arith.minsi %min3A_282, %select_n3A_291 : vector<16xi32>
        %get3A_293 = arith.constant 64 : index
        %get3A_294 = tpu.vector_load %arg8[%get3A_293] {strides = array<i32>} : memref<80xf32, #tpu.memory_space<vmem>>, vector<16xf32>,
        %eq3A_295 = vector.broadcast %reduce_max3A_252 : f32 to vector<16xf32>
        %eq3A_296 = arith.cmpf oeq, %get3A_294, %eq3A_295 : vector<16xf32>
        %add3A_297 = arith.constant 64 : i32
        %add3A_298 = vector.broadcast %add3A_297 : i32 to vector<16xi32>
        %add3A_299 = arith.addi %iota3A, %add3A_298 : vector<16xi32>
        %broadcast_in_dim3A_300 = vector.broadcast %while3A : i32 to vector<16xi32>
        %select_n3A_301 = arith.select %eq3A_296, %add3A_299, %broadcast_in_dim3A_300 : vector<16xi1>, vector<16xi32>
        %min3A_302 = arith.minsi %min3A_292, %select_n3A_301 : vector<16xi32>
        %reduce_min3A = arith.constant true
        %reduce_min3A_303 = vector.broadcast %reduce_min3A : i1 to vector<16xi1>
        %reduce_min3A_304 = arith.constant -2147483648 : i32
        %reduce_min3A_305 = vector.broadcast %reduce_min3A_304 : i32 to vector<16xi32>
        %reduce_min3A_306 = arith.xori %min3A_302, %reduce_min3A_305 : vector<16xi32>
        %reduce_min3A_307 = tpu.scan <min>, %reduce_min3A_306 masked %reduce_min3A_303 : vector<16xi32>, vector<16xi1> -> vector<16xi32>
        %reduce_min3A_308 = arith.xori %reduce_min3A_307, %reduce_min3A_305 : vector<16xi32>
        %reduce_min3A_309 = vector.extract %reduce_min3A_308[15] : i32 from vector<16xi32>
        %broadcast_in_dim3A_310 = vector.broadcast %while3A : i32 to vector<16xi32>
        %mul3A_311 = arith.constant 2 : i32
        %mul3A_312 = arith.muli %mul3A_311, %reduce_min3A_309 : i32
        %add3A_313 = arith.constant 0 : i32
        %add3A_314 = arith.addi %mul3A_312, %add3A_313 : i32
        %get3A_315 = arith.index_cast %add3A_314 : i32 to index
        %get3A_316 = arith.constant 0 : index
        %get3A_317 = tpu.vector_load %arg6[%get3A_315, %get3A_316] {strides = array<i32>} : memref<160x128xf32, #tpu.memory_space<vmem>>, vector<16xf32>,
        %eq3A_318 = vector.broadcast %reduce_max3A_252 : f32 to vector<16xf32>
        %eq3A_319 = arith.cmpf oeq, %get3A_317, %eq3A_318 : vector<16xf32>
        %add3A_320 = arith.constant 0 : i32
        %add3A_321 = vector.broadcast %add3A_320 : i32 to vector<16xi32>
        %add3A_322 = arith.addi %iota3A, %add3A_321 : vector<16xi32>
        %broadcast_in_dim3A_323 = vector.broadcast %while3A : i32 to vector<16xi32>
        %select_n3A_324 = arith.select %eq3A_319, %add3A_322, %broadcast_in_dim3A_323 : vector<16xi1>, vector<16xi32>
        %min3A_325 = arith.minsi %broadcast_in_dim3A_310, %select_n3A_324 : vector<16xi32>
        %mul3A_326 = arith.constant 2 : i32
        %mul3A_327 = arith.muli %mul3A_326, %reduce_min3A_309 : i32
        %add3A_328 = arith.constant 0 : i32
        %add3A_329 = arith.addi %mul3A_327, %add3A_328 : i32
        %get3A_330 = arith.index_cast %add3A_329 : i32 to index
        %get3A_331 = arith.constant 16 : index
        %get3A_332 = tpu.vector_load %arg6[%get3A_330, %get3A_331] {strides = array<i32>} : memref<160x128xf32, #tpu.memory_space<vmem>>, vector<16xf32>,
        %eq3A_333 = vector.broadcast %reduce_max3A_252 : f32 to vector<16xf32>
        %eq3A_334 = arith.cmpf oeq, %get3A_332, %eq3A_333 : vector<16xf32>
        %add3A_335 = arith.constant 16 : i32
        %add3A_336 = vector.broadcast %add3A_335 : i32 to vector<16xi32>
        %add3A_337 = arith.addi %iota3A, %add3A_336 : vector<16xi32>
        %broadcast_in_dim3A_338 = vector.broadcast %while3A : i32 to vector<16xi32>
        %select_n3A_339 = arith.select %eq3A_334, %add3A_337, %broadcast_in_dim3A_338 : vector<16xi1>, vector<16xi32>
        %min3A_340 = arith.minsi %min3A_325, %select_n3A_339 : vector<16xi32>
        %mul3A_341 = arith.constant 2 : i32
        %mul3A_342 = arith.muli %mul3A_341, %reduce_min3A_309 : i32
        %add3A_343 = arith.constant 0 : i32
        %add3A_344 = arith.addi %mul3A_342, %add3A_343 : i32
        %get3A_345 = arith.index_cast %add3A_344 : i32 to index
        %get3A_346 = arith.constant 32 : index
        %get3A_347 = tpu.vector_load %arg6[%get3A_345, %get3A_346] {strides = array<i32>} : memref<160x128xf32, #tpu.memory_space<vmem>>, vector<16xf32>,
        %eq3A_348 = vector.broadcast %reduce_max3A_252 : f32 to vector<16xf32>
        %eq3A_349 = arith.cmpf oeq, %get3A_347, %eq3A_348 : vector<16xf32>
        %add3A_350 = arith.constant 32 : i32
        %add3A_351 = vector.broadcast %add3A_350 : i32 to vector<16xi32>
        %add3A_352 = arith.addi %iota3A, %add3A_351 : vector<16xi32>
        %broadcast_in_dim3A_353 = vector.broadcast %while3A : i32 to vector<16xi32>
        %select_n3A_354 = arith.select %eq3A_349, %add3A_352, %broadcast_in_dim3A_353 : vector<16xi1>, vector<16xi32>
        %min3A_355 = arith.minsi %min3A_340, %select_n3A_354 : vector<16xi32>
        %mul3A_356 = arith.constant 2 : i32
        %mul3A_357 = arith.muli %mul3A_356, %reduce_min3A_309 : i32
        %add3A_358 = arith.constant 0 : i32
        %add3A_359 = arith.addi %mul3A_357, %add3A_358 : i32
        %get3A_360 = arith.index_cast %add3A_359 : i32 to index
        %get3A_361 = arith.constant 48 : index
        %get3A_362 = tpu.vector_load %arg6[%get3A_360, %get3A_361] {strides = array<i32>} : memref<160x128xf32, #tpu.memory_space<vmem>>, vector<16xf32>,
        %eq3A_363 = vector.broadcast %reduce_max3A_252 : f32 to vector<16xf32>
        %eq3A_364 = arith.cmpf oeq, %get3A_362, %eq3A_363 : vector<16xf32>
        %add3A_365 = arith.constant 48 : i32
        %add3A_366 = vector.broadcast %add3A_365 : i32 to vector<16xi32>
        %add3A_367 = arith.addi %iota3A, %add3A_366 : vector<16xi32>
        %broadcast_in_dim3A_368 = vector.broadcast %while3A : i32 to vector<16xi32>
        %select_n3A_369 = arith.select %eq3A_364, %add3A_367, %broadcast_in_dim3A_368 : vector<16xi1>, vector<16xi32>
        %min3A_370 = arith.minsi %min3A_355, %select_n3A_369 : vector<16xi32>
        %mul3A_371 = arith.constant 2 : i32
        %mul3A_372 = arith.muli %mul3A_371, %reduce_min3A_309 : i32
        %add3A_373 = arith.constant 0 : i32
        %add3A_374 = arith.addi %mul3A_372, %add3A_373 : i32
        %get3A_375 = arith.index_cast %add3A_374 : i32 to index
        %get3A_376 = arith.constant 64 : index
        %get3A_377 = tpu.vector_load %arg6[%get3A_375, %get3A_376] {strides = array<i32>} : memref<160x128xf32, #tpu.memory_space<vmem>>, vector<16xf32>,
        %eq3A_378 = vector.broadcast %reduce_max3A_252 : f32 to vector<16xf32>
        %eq3A_379 = arith.cmpf oeq, %get3A_377, %eq3A_378 : vector<16xf32>
        %add3A_380 = arith.constant 64 : i32
        %add3A_381 = vector.broadcast %add3A_380 : i32 to vector<16xi32>
        %add3A_382 = arith.addi %iota3A, %add3A_381 : vector<16xi32>
        %broadcast_in_dim3A_383 = vector.broadcast %while3A : i32 to vector<16xi32>
        %select_n3A_384 = arith.select %eq3A_379, %add3A_382, %broadcast_in_dim3A_383 : vector<16xi1>, vector<16xi32>
        %min3A_385 = arith.minsi %min3A_370, %select_n3A_384 : vector<16xi32>
        %mul3A_386 = arith.constant 2 : i32
        %mul3A_387 = arith.muli %mul3A_386, %reduce_min3A_309 : i32
        %add3A_388 = arith.constant 0 : i32
        %add3A_389 = arith.addi %mul3A_387, %add3A_388 : i32
        %get3A_390 = arith.index_cast %add3A_389 : i32 to index
        %get3A_391 = arith.constant 80 : index
        %get3A_392 = tpu.vector_load %arg6[%get3A_390, %get3A_391] {strides = array<i32>} : memref<160x128xf32, #tpu.memory_space<vmem>>, vector<16xf32>,
        %eq3A_393 = vector.broadcast %reduce_max3A_252 : f32 to vector<16xf32>
        %eq3A_394 = arith.cmpf oeq, %get3A_392, %eq3A_393 : vector<16xf32>
        %add3A_395 = arith.constant 80 : i32
        %add3A_396 = vector.broadcast %add3A_395 : i32 to vector<16xi32>
        %add3A_397 = arith.addi %iota3A, %add3A_396 : vector<16xi32>
        %broadcast_in_dim3A_398 = vector.broadcast %while3A : i32 to vector<16xi32>
        %select_n3A_399 = arith.select %eq3A_394, %add3A_397, %broadcast_in_dim3A_398 : vector<16xi1>, vector<16xi32>
        %min3A_400 = arith.minsi %min3A_385, %select_n3A_399 : vector<16xi32>
        %mul3A_401 = arith.constant 2 : i32
        %mul3A_402 = arith.muli %mul3A_401, %reduce_min3A_309 : i32
        %add3A_403 = arith.constant 0 : i32
        %add3A_404 = arith.addi %mul3A_402, %add3A_403 : i32
        %get3A_405 = arith.index_cast %add3A_404 : i32 to index
        %get3A_406 = arith.constant 96 : index
        %get3A_407 = tpu.vector_load %arg6[%get3A_405, %get3A_406] {strides = array<i32>} : memref<160x128xf32, #tpu.memory_space<vmem>>, vector<16xf32>,
        %eq3A_408 = vector.broadcast %reduce_max3A_252 : f32 to vector<16xf32>
        %eq3A_409 = arith.cmpf oeq, %get3A_407, %eq3A_408 : vector<16xf32>
        %add3A_410 = arith.constant 96 : i32
        %add3A_411 = vector.broadcast %add3A_410 : i32 to vector<16xi32>
        %add3A_412 = arith.addi %iota3A, %add3A_411 : vector<16xi32>
        %broadcast_in_dim3A_413 = vector.broadcast %while3A : i32 to vector<16xi32>
        %select_n3A_414 = arith.select %eq3A_409, %add3A_412, %broadcast_in_dim3A_413 : vector<16xi1>, vector<16xi32>
        %min3A_415 = arith.minsi %min3A_400, %select_n3A_414 : vector<16xi32>
        %mul3A_416 = arith.constant 2 : i32
        %mul3A_417 = arith.muli %mul3A_416, %reduce_min3A_309 : i32
        %add3A_418 = arith.constant 0 : i32
        %add3A_419 = arith.addi %mul3A_417, %add3A_418 : i32
        %get3A_420 = arith.index_cast %add3A_419 : i32 to index
        %get3A_421 = arith.constant 112 : index
        %get3A_422 = tpu.vector_load %arg6[%get3A_420, %get3A_421] {strides = array<i32>} : memref<160x128xf32, #tpu.memory_space<vmem>>, vector<16xf32>,
        %eq3A_423 = vector.broadcast %reduce_max3A_252 : f32 to vector<16xf32>
        %eq3A_424 = arith.cmpf oeq, %get3A_422, %eq3A_423 : vector<16xf32>
        %add3A_425 = arith.constant 112 : i32
        %add3A_426 = vector.broadcast %add3A_425 : i32 to vector<16xi32>
        %add3A_427 = arith.addi %iota3A, %add3A_426 : vector<16xi32>
        %broadcast_in_dim3A_428 = vector.broadcast %while3A : i32 to vector<16xi32>
        %select_n3A_429 = arith.select %eq3A_424, %add3A_427, %broadcast_in_dim3A_428 : vector<16xi1>, vector<16xi32>
        %min3A_430 = arith.minsi %min3A_415, %select_n3A_429 : vector<16xi32>
        %mul3A_431 = arith.constant 2 : i32
        %mul3A_432 = arith.muli %mul3A_431, %reduce_min3A_309 : i32
        %add3A_433 = arith.constant 1 : i32
        %add3A_434 = arith.addi %mul3A_432, %add3A_433 : i32
        %get3A_435 = arith.index_cast %add3A_434 : i32 to index
        %get3A_436 = arith.constant 0 : index
        %get3A_437 = tpu.vector_load %arg6[%get3A_435, %get3A_436] {strides = array<i32>} : memref<160x128xf32, #tpu.memory_space<vmem>>, vector<16xf32>,
        %eq3A_438 = vector.broadcast %reduce_max3A_252 : f32 to vector<16xf32>
        %eq3A_439 = arith.cmpf oeq, %get3A_437, %eq3A_438 : vector<16xf32>
        %add3A_440 = arith.constant 128 : i32
        %add3A_441 = vector.broadcast %add3A_440 : i32 to vector<16xi32>
        %add3A_442 = arith.addi %iota3A, %add3A_441 : vector<16xi32>
        %broadcast_in_dim3A_443 = vector.broadcast %while3A : i32 to vector<16xi32>
        %select_n3A_444 = arith.select %eq3A_439, %add3A_442, %broadcast_in_dim3A_443 : vector<16xi1>, vector<16xi32>
        %min3A_445 = arith.minsi %min3A_430, %select_n3A_444 : vector<16xi32>
        %mul3A_446 = arith.constant 2 : i32
        %mul3A_447 = arith.muli %mul3A_446, %reduce_min3A_309 : i32
        %add3A_448 = arith.constant 1 : i32
        %add3A_449 = arith.addi %mul3A_447, %add3A_448 : i32
        %get3A_450 = arith.index_cast %add3A_449 : i32 to index
        %get3A_451 = arith.constant 16 : index
        %get3A_452 = tpu.vector_load %arg6[%get3A_450, %get3A_451] {strides = array<i32>} : memref<160x128xf32, #tpu.memory_space<vmem>>, vector<16xf32>,
        %eq3A_453 = vector.broadcast %reduce_max3A_252 : f32 to vector<16xf32>
        %eq3A_454 = arith.cmpf oeq, %get3A_452, %eq3A_453 : vector<16xf32>
        %add3A_455 = arith.constant 144 : i32
        %add3A_456 = vector.broadcast %add3A_455 : i32 to vector<16xi32>
        %add3A_457 = arith.addi %iota3A, %add3A_456 : vector<16xi32>
        %broadcast_in_dim3A_458 = vector.broadcast %while3A : i32 to vector<16xi32>
        %select_n3A_459 = arith.select %eq3A_454, %add3A_457, %broadcast_in_dim3A_458 : vector<16xi1>, vector<16xi32>
        %min3A_460 = arith.minsi %min3A_445, %select_n3A_459 : vector<16xi32>
        %mul3A_461 = arith.constant 2 : i32
        %mul3A_462 = arith.muli %mul3A_461, %reduce_min3A_309 : i32
        %add3A_463 = arith.constant 1 : i32
        %add3A_464 = arith.addi %mul3A_462, %add3A_463 : i32
        %get3A_465 = arith.index_cast %add3A_464 : i32 to index
        %get3A_466 = arith.constant 32 : index
        %get3A_467 = tpu.vector_load %arg6[%get3A_465, %get3A_466] {strides = array<i32>} : memref<160x128xf32, #tpu.memory_space<vmem>>, vector<16xf32>,
        %eq3A_468 = vector.broadcast %reduce_max3A_252 : f32 to vector<16xf32>
        %eq3A_469 = arith.cmpf oeq, %get3A_467, %eq3A_468 : vector<16xf32>
        %add3A_470 = arith.constant 160 : i32
        %add3A_471 = vector.broadcast %add3A_470 : i32 to vector<16xi32>
        %add3A_472 = arith.addi %iota3A, %add3A_471 : vector<16xi32>
        %broadcast_in_dim3A_473 = vector.broadcast %while3A : i32 to vector<16xi32>
        %select_n3A_474 = arith.select %eq3A_469, %add3A_472, %broadcast_in_dim3A_473 : vector<16xi1>, vector<16xi32>
        %min3A_475 = arith.minsi %min3A_460, %select_n3A_474 : vector<16xi32>
        %mul3A_476 = arith.constant 2 : i32
        %mul3A_477 = arith.muli %mul3A_476, %reduce_min3A_309 : i32
        %add3A_478 = arith.constant 1 : i32
        %add3A_479 = arith.addi %mul3A_477, %add3A_478 : i32
        %get3A_480 = arith.index_cast %add3A_479 : i32 to index
        %get3A_481 = arith.constant 48 : index
        %get3A_482 = tpu.vector_load %arg6[%get3A_480, %get3A_481] {strides = array<i32>} : memref<160x128xf32, #tpu.memory_space<vmem>>, vector<16xf32>,
        %eq3A_483 = vector.broadcast %reduce_max3A_252 : f32 to vector<16xf32>
        %eq3A_484 = arith.cmpf oeq, %get3A_482, %eq3A_483 : vector<16xf32>
        %add3A_485 = arith.constant 176 : i32
        %add3A_486 = vector.broadcast %add3A_485 : i32 to vector<16xi32>
        %add3A_487 = arith.addi %iota3A, %add3A_486 : vector<16xi32>
        %broadcast_in_dim3A_488 = vector.broadcast %while3A : i32 to vector<16xi32>
        %select_n3A_489 = arith.select %eq3A_484, %add3A_487, %broadcast_in_dim3A_488 : vector<16xi1>, vector<16xi32>
        %min3A_490 = arith.minsi %min3A_475, %select_n3A_489 : vector<16xi32>
        %mul3A_491 = arith.constant 2 : i32
        %mul3A_492 = arith.muli %mul3A_491, %reduce_min3A_309 : i32
        %add3A_493 = arith.constant 1 : i32
        %add3A_494 = arith.addi %mul3A_492, %add3A_493 : i32
        %get3A_495 = arith.index_cast %add3A_494 : i32 to index
        %get3A_496 = arith.constant 64 : index
        %get3A_497 = tpu.vector_load %arg6[%get3A_495, %get3A_496] {strides = array<i32>} : memref<160x128xf32, #tpu.memory_space<vmem>>, vector<16xf32>,
        %eq3A_498 = vector.broadcast %reduce_max3A_252 : f32 to vector<16xf32>
        %eq3A_499 = arith.cmpf oeq, %get3A_497, %eq3A_498 : vector<16xf32>
        %add3A_500 = arith.constant 192 : i32
        %add3A_501 = vector.broadcast %add3A_500 : i32 to vector<16xi32>
        %add3A_502 = arith.addi %iota3A, %add3A_501 : vector<16xi32>
        %broadcast_in_dim3A_503 = vector.broadcast %while3A : i32 to vector<16xi32>
        %select_n3A_504 = arith.select %eq3A_499, %add3A_502, %broadcast_in_dim3A_503 : vector<16xi1>, vector<16xi32>
        %min3A_505 = arith.minsi %min3A_490, %select_n3A_504 : vector<16xi32>
        %mul3A_506 = arith.constant 2 : i32
        %mul3A_507 = arith.muli %mul3A_506, %reduce_min3A_309 : i32
        %add3A_508 = arith.constant 1 : i32
        %add3A_509 = arith.addi %mul3A_507, %add3A_508 : i32
        %get3A_510 = arith.index_cast %add3A_509 : i32 to index
        %get3A_511 = arith.constant 80 : index
        %get3A_512 = tpu.vector_load %arg6[%get3A_510, %get3A_511] {strides = array<i32>} : memref<160x128xf32, #tpu.memory_space<vmem>>, vector<16xf32>,
        %eq3A_513 = vector.broadcast %reduce_max3A_252 : f32 to vector<16xf32>
        %eq3A_514 = arith.cmpf oeq, %get3A_512, %eq3A_513 : vector<16xf32>
        %add3A_515 = arith.constant 208 : i32
        %add3A_516 = vector.broadcast %add3A_515 : i32 to vector<16xi32>
        %add3A_517 = arith.addi %iota3A, %add3A_516 : vector<16xi32>
        %broadcast_in_dim3A_518 = vector.broadcast %while3A : i32 to vector<16xi32>
        %select_n3A_519 = arith.select %eq3A_514, %add3A_517, %broadcast_in_dim3A_518 : vector<16xi1>, vector<16xi32>
        %min3A_520 = arith.minsi %min3A_505, %select_n3A_519 : vector<16xi32>
        %mul3A_521 = arith.constant 2 : i32
        %mul3A_522 = arith.muli %mul3A_521, %reduce_min3A_309 : i32
        %add3A_523 = arith.constant 1 : i32
        %add3A_524 = arith.addi %mul3A_522, %add3A_523 : i32
        %get3A_525 = arith.index_cast %add3A_524 : i32 to index
        %get3A_526 = arith.constant 96 : index
        %get3A_527 = tpu.vector_load %arg6[%get3A_525, %get3A_526] {strides = array<i32>} : memref<160x128xf32, #tpu.memory_space<vmem>>, vector<16xf32>,
        %eq3A_528 = vector.broadcast %reduce_max3A_252 : f32 to vector<16xf32>
        %eq3A_529 = arith.cmpf oeq, %get3A_527, %eq3A_528 : vector<16xf32>
        %add3A_530 = arith.constant 224 : i32
        %add3A_531 = vector.broadcast %add3A_530 : i32 to vector<16xi32>
        %add3A_532 = arith.addi %iota3A, %add3A_531 : vector<16xi32>
        %broadcast_in_dim3A_533 = vector.broadcast %while3A : i32 to vector<16xi32>
        %select_n3A_534 = arith.select %eq3A_529, %add3A_532, %broadcast_in_dim3A_533 : vector<16xi1>, vector<16xi32>
        %min3A_535 = arith.minsi %min3A_520, %select_n3A_534 : vector<16xi32>
        %mul3A_536 = arith.constant 2 : i32
        %mul3A_537 = arith.muli %mul3A_536, %reduce_min3A_309 : i32
        %add3A_538 = arith.constant 1 : i32
        %add3A_539 = arith.addi %mul3A_537, %add3A_538 : i32
        %get3A_540 = arith.index_cast %add3A_539 : i32 to index
        %get3A_541 = arith.constant 112 : index
        %get3A_542 = tpu.vector_load %arg6[%get3A_540, %get3A_541] {strides = array<i32>} : memref<160x128xf32, #tpu.memory_space<vmem>>, vector<16xf32>,
        %eq3A_543 = vector.broadcast %reduce_max3A_252 : f32 to vector<16xf32>
        %eq3A_544 = arith.cmpf oeq, %get3A_542, %eq3A_543 : vector<16xf32>
        %add3A_545 = arith.constant 240 : i32
        %add3A_546 = vector.broadcast %add3A_545 : i32 to vector<16xi32>
        %add3A_547 = arith.addi %iota3A, %add3A_546 : vector<16xi32>
        %broadcast_in_dim3A_548 = vector.broadcast %while3A : i32 to vector<16xi32>
        %select_n3A_549 = arith.select %eq3A_544, %add3A_547, %broadcast_in_dim3A_548 : vector<16xi1>, vector<16xi32>
        %min3A_550 = arith.minsi %min3A_535, %select_n3A_549 : vector<16xi32>
        %reduce_min3A_551 = arith.constant true
        %reduce_min3A_552 = vector.broadcast %reduce_min3A_551 : i1 to vector<16xi1>
        %reduce_min3A_553 = arith.constant -2147483648 : i32
        %reduce_min3A_554 = vector.broadcast %reduce_min3A_553 : i32 to vector<16xi32>
        %reduce_min3A_555 = arith.xori %min3A_550, %reduce_min3A_554 : vector<16xi32>
        %reduce_min3A_556 = tpu.scan <min>, %reduce_min3A_555 masked %reduce_min3A_552 : vector<16xi32>, vector<16xi1> -> vector<16xi32>
        %reduce_min3A_557 = arith.xori %reduce_min3A_556, %reduce_min3A_554 : vector<16xi32>
        %reduce_min3A_558 = vector.extract %reduce_min3A_557[15] : i32 from vector<16xi32>
        %mul3A_559 = arith.constant 256 : i32
        %mul3A_560 = arith.muli %reduce_min3A_309, %mul3A_559 : i32
        %add3A_561 = arith.addi %mul3A_560, %reduce_min3A_558 : i32
        %gt3A = arith.constant 5.000000e-02 : f32
        %gt3A_562 = arith.cmpf ogt, %reduce_max3A_252, %gt3A : f32
        %broadcast_in_dim3A_563 = arith.constant 0 : i32
        %broadcast_in_dim3A_564 = vector.broadcast %broadcast_in_dim3A_563 : i32 to vector<16xi32>
        %min3A_565 = arith.constant 3 : i32
        %min3A_566 = vector.broadcast %min3A_565 : i32 to vector<16xi32>
        %min3A_567 = arith.minsi %iota3A, %min3A_566 : vector<16xi32>
        %jit3A_568 = arith.constant 128 : i32
        %div3A = arith.divsi %add3A_561, %jit3A_568 : i32
        %sign3A = arith.constant 0 : i32
        %sign3A_569 = arith.cmpi sgt, %add3A_561, %sign3A : i32
        %sign3A_570 = arith.extui %sign3A_569 : i1 to i32
        %sign3A_571 = arith.constant 0 : i32
        %sign3A_572 = arith.cmpi slt, %add3A_561, %sign3A_571 : i32
        %sign3A_573 = arith.extui %sign3A_572 : i1 to i32
        %sign3A_574 = arith.subi %sign3A_570, %sign3A_573 : i32
        %sign3A_575 = arith.constant 0 : i32
        %sign3A_576 = arith.cmpi sgt, %jit3A_568, %sign3A_575 : i32
        %sign3A_577 = arith.extui %sign3A_576 : i1 to i32
        %sign3A_578 = arith.constant 0 : i32
        %sign3A_579 = arith.cmpi slt, %jit3A_568, %sign3A_578 : i32
        %sign3A_580 = arith.extui %sign3A_579 : i1 to i32
        %sign3A_581 = arith.subi %sign3A_577, %sign3A_580 : i32
        %ne3A = arith.cmpi ne, %sign3A_574, %sign3A_581 : i32
        %rem3A = arith.remsi %add3A_561, %jit3A_568 : i32
        %ne3A_582 = arith.constant 0 : i32
        %ne3A_583 = arith.cmpi ne, %rem3A, %ne3A_582 : i32
        %and3A = arith.andi %ne3A, %ne3A_583 : i1
        %sub3A = arith.constant 1 : i32
        %sub3A_584 = arith.subi %div3A, %sub3A : i32
        %select_n3A_585 = arith.select %and3A, %sub3A_584, %div3A : i32
        %add3A_586 = vector.broadcast %select_n3A_585 : i32 to vector<16xi32>
        %add3A_587 = arith.addi %broadcast_in_dim3A_564, %add3A_586 : vector<16xi32>
        %jit3A_588 = arith.constant 128 : i32
        %eq3A_589 = arith.constant 0 : i32
        %eq3A_590 = arith.cmpi eq, %jit3A_588, %eq3A_589 : i32
        %jit3A_591 = arith.constant 1 : i32
        %select_n3A_592 = arith.select %eq3A_590, %jit3A_591, %jit3A_588 : i32
        %rem3A_593 = arith.remsi %add3A_561, %select_n3A_592 : i32
        %ne3A_594 = arith.constant 0 : i32
        %ne3A_595 = arith.cmpi ne, %rem3A_593, %ne3A_594 : i32
        %lt3A_596 = arith.constant 0 : i32
        %lt3A_597 = arith.cmpi slt, %rem3A_593, %lt3A_596 : i32
        %lt3A_598 = arith.constant 0 : i32
        %lt3A_599 = arith.cmpi slt, %select_n3A_592, %lt3A_598 : i32
        %ne3A_600 = arith.xori %lt3A_597, %lt3A_599 : i1
        %and3A_601 = arith.andi %ne3A_600, %ne3A_595 : i1
        %add3A_602 = arith.addi %rem3A_593, %select_n3A_592 : i32
        %select_n3A_603 = arith.select %and3A_601, %add3A_602, %rem3A_593 : i32
        %add3A_604 = vector.broadcast %select_n3A_603 : i32 to vector<16xi32>
        %add3A_605 = arith.addi %broadcast_in_dim3A_564, %add3A_604 : vector<16xi32>
        %gather3A = tpu.vector_load_idx %arg7[%min3A_567, %add3A_587, %add3A_605] : memref<4x160x128xf32, #tpu.memory_space<vmem>>[vector<16xi32>, vector<16xi32>, vector<16xi32>], vector<16xf32>,
        %slice3A = vector.extract_strided_slice %gather3A {offsets = [0], sizes = [1], strides = [1]} : vector<16xf32> to vector<1xf32>
        %squeeze3A = vector.extract %slice3A[0] : f32 from vector<1xf32>
        %slice3A_606 = vector.extract_strided_slice %gather3A {offsets = [1], sizes = [1], strides = [1]} : vector<16xf32> to vector<1xf32>
        %squeeze3A_607 = vector.extract %slice3A_606[0] : f32 from vector<1xf32>
        %slice3A_608 = vector.extract_strided_slice %gather3A {offsets = [2], sizes = [1], strides = [1]} : vector<16xf32> to vector<1xf32>
        %squeeze3A_609 = vector.extract %slice3A_608[0] : f32 from vector<1xf32>
        %slice3A_610 = vector.extract_strided_slice %gather3A {offsets = [3], sizes = [1], strides = [1]} : vector<16xf32> to vector<1xf32>
        %squeeze3A_611 = vector.extract %slice3A_610[0] : f32 from vector<1xf32>
        %min3A_612 = arith.minimumf %squeeze3A, %squeeze3A_609 : f32
        %min3A_613 = arith.minimumf %squeeze3A_607, %squeeze3A_611 : f32
        %max3A_614 = arith.maximumf %squeeze3A, %squeeze3A_609 : f32
        %max3A_615 = arith.maximumf %squeeze3A_607, %squeeze3A_611 : f32
        %sub3A_616 = arith.subf %max3A_614, %min3A_612 : f32
        %sub3A_617 = arith.subf %max3A_615, %min3A_613 : f32
        %mul3A_618 = arith.mulf %sub3A_616, %sub3A_617 : f32
        %broadcast_in_dim3A_619 = arith.constant 0.000000e+00 : f32
        %broadcast_in_dim3A_620 = vector.broadcast %broadcast_in_dim3A_619 : f32 to vector<16xf32>
        %get3A_621 = arith.constant 0 : i32
        %get3A_622 = arith.index_cast %get3A_621 : i32 to index
        %get3A_623 = arith.constant 0 : index
        %get3A_624 = tpu.vector_load %arg9[%get3A_622, %get3A_623] {strides = array<i32>} : memref<4x112xf32, #tpu.memory_space<vmem>>, vector<16xf32>,
        %get3A_625 = arith.constant 1 : i32
        %get3A_626 = arith.index_cast %get3A_625 : i32 to index
        %get3A_627 = arith.constant 0 : index
        %get3A_628 = tpu.vector_load %arg9[%get3A_626, %get3A_627] {strides = array<i32>} : memref<4x112xf32, #tpu.memory_space<vmem>>, vector<16xf32>,
        %get3A_629 = arith.constant 2 : i32
        %get3A_630 = arith.index_cast %get3A_629 : i32 to index
        %get3A_631 = arith.constant 0 : index
        %get3A_632 = tpu.vector_load %arg9[%get3A_630, %get3A_631] {strides = array<i32>} : memref<4x112xf32, #tpu.memory_space<vmem>>, vector<16xf32>,
        %get3A_633 = arith.constant 3 : i32
        %get3A_634 = arith.index_cast %get3A_633 : i32 to index
        %get3A_635 = arith.constant 0 : index
        %get3A_636 = tpu.vector_load %arg9[%get3A_634, %get3A_635] {strides = array<i32>} : memref<4x112xf32, #tpu.memory_space<vmem>>, vector<16xf32>,
        %max3A_637 = vector.broadcast %min3A_612 : f32 to vector<16xf32>
        %max3A_638 = arith.maximumf %max3A_637, %get3A_624 : vector<16xf32>
        %max3A_639 = vector.broadcast %min3A_613 : f32 to vector<16xf32>
        %max3A_640 = arith.maximumf %max3A_639, %get3A_628 : vector<16xf32>
        %min3A_641 = vector.broadcast %max3A_614 : f32 to vector<16xf32>
        %min3A_642 = arith.minimumf %min3A_641, %get3A_632 : vector<16xf32>
        %min3A_643 = vector.broadcast %max3A_615 : f32 to vector<16xf32>
        %min3A_644 = arith.minimumf %min3A_643, %get3A_636 : vector<16xf32>
        %sub3A_645 = arith.subf %min3A_642, %max3A_638 : vector<16xf32>
        %max3A_646 = arith.constant 0.000000e+00 : f32
        %max3A_647 = vector.broadcast %max3A_646 : f32 to vector<16xf32>
        %max3A_648 = arith.maximumf %sub3A_645, %max3A_647 : vector<16xf32>
        %sub3A_649 = arith.subf %min3A_644, %max3A_640 : vector<16xf32>
        %max3A_650 = arith.constant 0.000000e+00 : f32
        %max3A_651 = vector.broadcast %max3A_650 : f32 to vector<16xf32>
        %max3A_652 = arith.maximumf %sub3A_649, %max3A_651 : vector<16xf32>
        %mul3A_653 = arith.mulf %max3A_648, %max3A_652 : vector<16xf32>
        %sub3A_654 = arith.subf %get3A_632, %get3A_624 : vector<16xf32>
        %sub3A_655 = arith.subf %get3A_636, %get3A_628 : vector<16xf32>
        %mul3A_656 = arith.mulf %sub3A_654, %sub3A_655 : vector<16xf32>
        %add3A_657 = vector.broadcast %mul3A_618 : f32 to vector<16xf32>
        %add3A_658 = arith.addf %mul3A_656, %add3A_657 : vector<16xf32>
        %sub3A_659 = arith.subf %add3A_658, %mul3A_653 : vector<16xf32>
        %max3A_660 = arith.constant 9.99999993E-9 : f32
        %max3A_661 = vector.broadcast %max3A_660 : f32 to vector<16xf32>
        %max3A_662 = arith.maximumf %sub3A_659, %max3A_661 : vector<16xf32>
        %div3A_663 = arith.divf %mul3A_653, %max3A_662 : vector<16xf32>
        %max3A_664 = arith.maximumf %broadcast_in_dim3A_620, %div3A_663 : vector<16xf32>
        %get3A_665 = arith.constant 0 : i32
        %get3A_666 = arith.index_cast %get3A_665 : i32 to index
        %get3A_667 = arith.constant 16 : index
        %get3A_668 = tpu.vector_load %arg9[%get3A_666, %get3A_667] {strides = array<i32>} : memref<4x112xf32, #tpu.memory_space<vmem>>, vector<16xf32>,
        %get3A_669 = arith.constant 1 : i32
        %get3A_670 = arith.index_cast %get3A_669 : i32 to index
        %get3A_671 = arith.constant 16 : index
        %get3A_672 = tpu.vector_load %arg9[%get3A_670, %get3A_671] {strides = array<i32>} : memref<4x112xf32, #tpu.memory_space<vmem>>, vector<16xf32>,
        %get3A_673 = arith.constant 2 : i32
        %get3A_674 = arith.index_cast %get3A_673 : i32 to index
        %get3A_675 = arith.constant 16 : index
        %get3A_676 = tpu.vector_load %arg9[%get3A_674, %get3A_675] {strides = array<i32>} : memref<4x112xf32, #tpu.memory_space<vmem>>, vector<16xf32>,
        %get3A_677 = arith.constant 3 : i32
        %get3A_678 = arith.index_cast %get3A_677 : i32 to index
        %get3A_679 = arith.constant 16 : index
        %get3A_680 = tpu.vector_load %arg9[%get3A_678, %get3A_679] {strides = array<i32>} : memref<4x112xf32, #tpu.memory_space<vmem>>, vector<16xf32>,
        %max3A_681 = vector.broadcast %min3A_612 : f32 to vector<16xf32>
        %max3A_682 = arith.maximumf %max3A_681, %get3A_668 : vector<16xf32>
        %max3A_683 = vector.broadcast %min3A_613 : f32 to vector<16xf32>
        %max3A_684 = arith.maximumf %max3A_683, %get3A_672 : vector<16xf32>
        %min3A_685 = vector.broadcast %max3A_614 : f32 to vector<16xf32>
        %min3A_686 = arith.minimumf %min3A_685, %get3A_676 : vector<16xf32>
        %min3A_687 = vector.broadcast %max3A_615 : f32 to vector<16xf32>
        %min3A_688 = arith.minimumf %min3A_687, %get3A_680 : vector<16xf32>
        %sub3A_689 = arith.subf %min3A_686, %max3A_682 : vector<16xf32>
        %max3A_690 = arith.constant 0.000000e+00 : f32
        %max3A_691 = vector.broadcast %max3A_690 : f32 to vector<16xf32>
        %max3A_692 = arith.maximumf %sub3A_689, %max3A_691 : vector<16xf32>
        %sub3A_693 = arith.subf %min3A_688, %max3A_684 : vector<16xf32>
        %max3A_694 = arith.constant 0.000000e+00 : f32
        %max3A_695 = vector.broadcast %max3A_694 : f32 to vector<16xf32>
        %max3A_696 = arith.maximumf %sub3A_693, %max3A_695 : vector<16xf32>
        %mul3A_697 = arith.mulf %max3A_692, %max3A_696 : vector<16xf32>
        %sub3A_698 = arith.subf %get3A_676, %get3A_668 : vector<16xf32>
        %sub3A_699 = arith.subf %get3A_680, %get3A_672 : vector<16xf32>
        %mul3A_700 = arith.mulf %sub3A_698, %sub3A_699 : vector<16xf32>
        %add3A_701 = vector.broadcast %mul3A_618 : f32 to vector<16xf32>
        %add3A_702 = arith.addf %mul3A_700, %add3A_701 : vector<16xf32>
        %sub3A_703 = arith.subf %add3A_702, %mul3A_697 : vector<16xf32>
        %max3A_704 = arith.constant 9.99999993E-9 : f32
        %max3A_705 = vector.broadcast %max3A_704 : f32 to vector<16xf32>
        %max3A_706 = arith.maximumf %sub3A_703, %max3A_705 : vector<16xf32>
        %div3A_707 = arith.divf %mul3A_697, %max3A_706 : vector<16xf32>
        %max3A_708 = arith.maximumf %max3A_664, %div3A_707 : vector<16xf32>
        %get3A_709 = arith.constant 0 : i32
        %get3A_710 = arith.index_cast %get3A_709 : i32 to index
        %get3A_711 = arith.constant 32 : index
        %get3A_712 = tpu.vector_load %arg9[%get3A_710, %get3A_711] {strides = array<i32>} : memref<4x112xf32, #tpu.memory_space<vmem>>, vector<16xf32>,
        %get3A_713 = arith.constant 1 : i32
        %get3A_714 = arith.index_cast %get3A_713 : i32 to index
        %get3A_715 = arith.constant 32 : index
        %get3A_716 = tpu.vector_load %arg9[%get3A_714, %get3A_715] {strides = array<i32>} : memref<4x112xf32, #tpu.memory_space<vmem>>, vector<16xf32>,
        %get3A_717 = arith.constant 2 : i32
        %get3A_718 = arith.index_cast %get3A_717 : i32 to index
        %get3A_719 = arith.constant 32 : index
        %get3A_720 = tpu.vector_load %arg9[%get3A_718, %get3A_719] {strides = array<i32>} : memref<4x112xf32, #tpu.memory_space<vmem>>, vector<16xf32>,
        %get3A_721 = arith.constant 3 : i32
        %get3A_722 = arith.index_cast %get3A_721 : i32 to index
        %get3A_723 = arith.constant 32 : index
        %get3A_724 = tpu.vector_load %arg9[%get3A_722, %get3A_723] {strides = array<i32>} : memref<4x112xf32, #tpu.memory_space<vmem>>, vector<16xf32>,
        %max3A_725 = vector.broadcast %min3A_612 : f32 to vector<16xf32>
        %max3A_726 = arith.maximumf %max3A_725, %get3A_712 : vector<16xf32>
        %max3A_727 = vector.broadcast %min3A_613 : f32 to vector<16xf32>
        %max3A_728 = arith.maximumf %max3A_727, %get3A_716 : vector<16xf32>
        %min3A_729 = vector.broadcast %max3A_614 : f32 to vector<16xf32>
        %min3A_730 = arith.minimumf %min3A_729, %get3A_720 : vector<16xf32>
        %min3A_731 = vector.broadcast %max3A_615 : f32 to vector<16xf32>
        %min3A_732 = arith.minimumf %min3A_731, %get3A_724 : vector<16xf32>
        %sub3A_733 = arith.subf %min3A_730, %max3A_726 : vector<16xf32>
        %max3A_734 = arith.constant 0.000000e+00 : f32
        %max3A_735 = vector.broadcast %max3A_734 : f32 to vector<16xf32>
        %max3A_736 = arith.maximumf %sub3A_733, %max3A_735 : vector<16xf32>
        %sub3A_737 = arith.subf %min3A_732, %max3A_728 : vector<16xf32>
        %max3A_738 = arith.constant 0.000000e+00 : f32
        %max3A_739 = vector.broadcast %max3A_738 : f32 to vector<16xf32>
        %max3A_740 = arith.maximumf %sub3A_737, %max3A_739 : vector<16xf32>
        %mul3A_741 = arith.mulf %max3A_736, %max3A_740 : vector<16xf32>
        %sub3A_742 = arith.subf %get3A_720, %get3A_712 : vector<16xf32>
        %sub3A_743 = arith.subf %get3A_724, %get3A_716 : vector<16xf32>
        %mul3A_744 = arith.mulf %sub3A_742, %sub3A_743 : vector<16xf32>
        %add3A_745 = vector.broadcast %mul3A_618 : f32 to vector<16xf32>
        %add3A_746 = arith.addf %mul3A_744, %add3A_745 : vector<16xf32>
        %sub3A_747 = arith.subf %add3A_746, %mul3A_741 : vector<16xf32>
        %max3A_748 = arith.constant 9.99999993E-9 : f32
        %max3A_749 = vector.broadcast %max3A_748 : f32 to vector<16xf32>
        %max3A_750 = arith.maximumf %sub3A_747, %max3A_749 : vector<16xf32>
        %div3A_751 = arith.divf %mul3A_741, %max3A_750 : vector<16xf32>
        %max3A_752 = arith.maximumf %max3A_708, %div3A_751 : vector<16xf32>
        %get3A_753 = arith.constant 0 : i32
        %get3A_754 = arith.index_cast %get3A_753 : i32 to index
        %get3A_755 = arith.constant 48 : index
        %get3A_756 = tpu.vector_load %arg9[%get3A_754, %get3A_755] {strides = array<i32>} : memref<4x112xf32, #tpu.memory_space<vmem>>, vector<16xf32>,
        %get3A_757 = arith.constant 1 : i32
        %get3A_758 = arith.index_cast %get3A_757 : i32 to index
        %get3A_759 = arith.constant 48 : index
        %get3A_760 = tpu.vector_load %arg9[%get3A_758, %get3A_759] {strides = array<i32>} : memref<4x112xf32, #tpu.memory_space<vmem>>, vector<16xf32>,
        %get3A_761 = arith.constant 2 : i32
        %get3A_762 = arith.index_cast %get3A_761 : i32 to index
        %get3A_763 = arith.constant 48 : index
        %get3A_764 = tpu.vector_load %arg9[%get3A_762, %get3A_763] {strides = array<i32>} : memref<4x112xf32, #tpu.memory_space<vmem>>, vector<16xf32>,
        %get3A_765 = arith.constant 3 : i32
        %get3A_766 = arith.index_cast %get3A_765 : i32 to index
        %get3A_767 = arith.constant 48 : index
        %get3A_768 = tpu.vector_load %arg9[%get3A_766, %get3A_767] {strides = array<i32>} : memref<4x112xf32, #tpu.memory_space<vmem>>, vector<16xf32>,
        %max3A_769 = vector.broadcast %min3A_612 : f32 to vector<16xf32>
        %max3A_770 = arith.maximumf %max3A_769, %get3A_756 : vector<16xf32>
        %max3A_771 = vector.broadcast %min3A_613 : f32 to vector<16xf32>
        %max3A_772 = arith.maximumf %max3A_771, %get3A_760 : vector<16xf32>
        %min3A_773 = vector.broadcast %max3A_614 : f32 to vector<16xf32>
        %min3A_774 = arith.minimumf %min3A_773, %get3A_764 : vector<16xf32>
        %min3A_775 = vector.broadcast %max3A_615 : f32 to vector<16xf32>
        %min3A_776 = arith.minimumf %min3A_775, %get3A_768 : vector<16xf32>
        %sub3A_777 = arith.subf %min3A_774, %max3A_770 : vector<16xf32>
        %max3A_778 = arith.constant 0.000000e+00 : f32
        %max3A_779 = vector.broadcast %max3A_778 : f32 to vector<16xf32>
        %max3A_780 = arith.maximumf %sub3A_777, %max3A_779 : vector<16xf32>
        %sub3A_781 = arith.subf %min3A_776, %max3A_772 : vector<16xf32>
        %max3A_782 = arith.constant 0.000000e+00 : f32
        %max3A_783 = vector.broadcast %max3A_782 : f32 to vector<16xf32>
        %max3A_784 = arith.maximumf %sub3A_781, %max3A_783 : vector<16xf32>
        %mul3A_785 = arith.mulf %max3A_780, %max3A_784 : vector<16xf32>
        %sub3A_786 = arith.subf %get3A_764, %get3A_756 : vector<16xf32>
        %sub3A_787 = arith.subf %get3A_768, %get3A_760 : vector<16xf32>
        %mul3A_788 = arith.mulf %sub3A_786, %sub3A_787 : vector<16xf32>
        %add3A_789 = vector.broadcast %mul3A_618 : f32 to vector<16xf32>
        %add3A_790 = arith.addf %mul3A_788, %add3A_789 : vector<16xf32>
        %sub3A_791 = arith.subf %add3A_790, %mul3A_785 : vector<16xf32>
        %max3A_792 = arith.constant 9.99999993E-9 : f32
        %max3A_793 = vector.broadcast %max3A_792 : f32 to vector<16xf32>
        %max3A_794 = arith.maximumf %sub3A_791, %max3A_793 : vector<16xf32>
        %div3A_795 = arith.divf %mul3A_785, %max3A_794 : vector<16xf32>
        %max3A_796 = arith.maximumf %max3A_752, %div3A_795 : vector<16xf32>
        %get3A_797 = arith.constant 0 : i32
        %get3A_798 = arith.index_cast %get3A_797 : i32 to index
        %get3A_799 = arith.constant 64 : index
        %get3A_800 = tpu.vector_load %arg9[%get3A_798, %get3A_799] {strides = array<i32>} : memref<4x112xf32, #tpu.memory_space<vmem>>, vector<16xf32>,
        %get3A_801 = arith.constant 1 : i32
        %get3A_802 = arith.index_cast %get3A_801 : i32 to index
        %get3A_803 = arith.constant 64 : index
        %get3A_804 = tpu.vector_load %arg9[%get3A_802, %get3A_803] {strides = array<i32>} : memref<4x112xf32, #tpu.memory_space<vmem>>, vector<16xf32>,
        %get3A_805 = arith.constant 2 : i32
        %get3A_806 = arith.index_cast %get3A_805 : i32 to index
        %get3A_807 = arith.constant 64 : index
        %get3A_808 = tpu.vector_load %arg9[%get3A_806, %get3A_807] {strides = array<i32>} : memref<4x112xf32, #tpu.memory_space<vmem>>, vector<16xf32>,
        %get3A_809 = arith.constant 3 : i32
        %get3A_810 = arith.index_cast %get3A_809 : i32 to index
        %get3A_811 = arith.constant 64 : index
        %get3A_812 = tpu.vector_load %arg9[%get3A_810, %get3A_811] {strides = array<i32>} : memref<4x112xf32, #tpu.memory_space<vmem>>, vector<16xf32>,
        %max3A_813 = vector.broadcast %min3A_612 : f32 to vector<16xf32>
        %max3A_814 = arith.maximumf %max3A_813, %get3A_800 : vector<16xf32>
        %max3A_815 = vector.broadcast %min3A_613 : f32 to vector<16xf32>
        %max3A_816 = arith.maximumf %max3A_815, %get3A_804 : vector<16xf32>
        %min3A_817 = vector.broadcast %max3A_614 : f32 to vector<16xf32>
        %min3A_818 = arith.minimumf %min3A_817, %get3A_808 : vector<16xf32>
        %min3A_819 = vector.broadcast %max3A_615 : f32 to vector<16xf32>
        %min3A_820 = arith.minimumf %min3A_819, %get3A_812 : vector<16xf32>
        %sub3A_821 = arith.subf %min3A_818, %max3A_814 : vector<16xf32>
        %max3A_822 = arith.constant 0.000000e+00 : f32
        %max3A_823 = vector.broadcast %max3A_822 : f32 to vector<16xf32>
        %max3A_824 = arith.maximumf %sub3A_821, %max3A_823 : vector<16xf32>
        %sub3A_825 = arith.subf %min3A_820, %max3A_816 : vector<16xf32>
        %max3A_826 = arith.constant 0.000000e+00 : f32
        %max3A_827 = vector.broadcast %max3A_826 : f32 to vector<16xf32>
        %max3A_828 = arith.maximumf %sub3A_825, %max3A_827 : vector<16xf32>
        %mul3A_829 = arith.mulf %max3A_824, %max3A_828 : vector<16xf32>
        %sub3A_830 = arith.subf %get3A_808, %get3A_800 : vector<16xf32>
        %sub3A_831 = arith.subf %get3A_812, %get3A_804 : vector<16xf32>
        %mul3A_832 = arith.mulf %sub3A_830, %sub3A_831 : vector<16xf32>
        %add3A_833 = vector.broadcast %mul3A_618 : f32 to vector<16xf32>
        %add3A_834 = arith.addf %mul3A_832, %add3A_833 : vector<16xf32>
        %sub3A_835 = arith.subf %add3A_834, %mul3A_829 : vector<16xf32>
        %max3A_836 = arith.constant 9.99999993E-9 : f32
        %max3A_837 = vector.broadcast %max3A_836 : f32 to vector<16xf32>
        %max3A_838 = arith.maximumf %sub3A_835, %max3A_837 : vector<16xf32>
        %div3A_839 = arith.divf %mul3A_829, %max3A_838 : vector<16xf32>
        %max3A_840 = arith.maximumf %max3A_796, %div3A_839 : vector<16xf32>
        %get3A_841 = arith.constant 0 : i32
        %get3A_842 = arith.index_cast %get3A_841 : i32 to index
        %get3A_843 = arith.constant 80 : index
        %get3A_844 = tpu.vector_load %arg9[%get3A_842, %get3A_843] {strides = array<i32>} : memref<4x112xf32, #tpu.memory_space<vmem>>, vector<16xf32>,
        %get3A_845 = arith.constant 1 : i32
        %get3A_846 = arith.index_cast %get3A_845 : i32 to index
        %get3A_847 = arith.constant 80 : index
        %get3A_848 = tpu.vector_load %arg9[%get3A_846, %get3A_847] {strides = array<i32>} : memref<4x112xf32, #tpu.memory_space<vmem>>, vector<16xf32>,
        %get3A_849 = arith.constant 2 : i32
        %get3A_850 = arith.index_cast %get3A_849 : i32 to index
        %get3A_851 = arith.constant 80 : index
        %get3A_852 = tpu.vector_load %arg9[%get3A_850, %get3A_851] {strides = array<i32>} : memref<4x112xf32, #tpu.memory_space<vmem>>, vector<16xf32>,
        %get3A_853 = arith.constant 3 : i32
        %get3A_854 = arith.index_cast %get3A_853 : i32 to index
        %get3A_855 = arith.constant 80 : index
        %get3A_856 = tpu.vector_load %arg9[%get3A_854, %get3A_855] {strides = array<i32>} : memref<4x112xf32, #tpu.memory_space<vmem>>, vector<16xf32>,
        %max3A_857 = vector.broadcast %min3A_612 : f32 to vector<16xf32>
        %max3A_858 = arith.maximumf %max3A_857, %get3A_844 : vector<16xf32>
        %max3A_859 = vector.broadcast %min3A_613 : f32 to vector<16xf32>
        %max3A_860 = arith.maximumf %max3A_859, %get3A_848 : vector<16xf32>
        %min3A_861 = vector.broadcast %max3A_614 : f32 to vector<16xf32>
        %min3A_862 = arith.minimumf %min3A_861, %get3A_852 : vector<16xf32>
        %min3A_863 = vector.broadcast %max3A_615 : f32 to vector<16xf32>
        %min3A_864 = arith.minimumf %min3A_863, %get3A_856 : vector<16xf32>
        %sub3A_865 = arith.subf %min3A_862, %max3A_858 : vector<16xf32>
        %max3A_866 = arith.constant 0.000000e+00 : f32
        %max3A_867 = vector.broadcast %max3A_866 : f32 to vector<16xf32>
        %max3A_868 = arith.maximumf %sub3A_865, %max3A_867 : vector<16xf32>
        %sub3A_869 = arith.subf %min3A_864, %max3A_860 : vector<16xf32>
        %max3A_870 = arith.constant 0.000000e+00 : f32
        %max3A_871 = vector.broadcast %max3A_870 : f32 to vector<16xf32>
        %max3A_872 = arith.maximumf %sub3A_869, %max3A_871 : vector<16xf32>
        %mul3A_873 = arith.mulf %max3A_868, %max3A_872 : vector<16xf32>
        %sub3A_874 = arith.subf %get3A_852, %get3A_844 : vector<16xf32>
        %sub3A_875 = arith.subf %get3A_856, %get3A_848 : vector<16xf32>
        %mul3A_876 = arith.mulf %sub3A_874, %sub3A_875 : vector<16xf32>
        %add3A_877 = vector.broadcast %mul3A_618 : f32 to vector<16xf32>
        %add3A_878 = arith.addf %mul3A_876, %add3A_877 : vector<16xf32>
        %sub3A_879 = arith.subf %add3A_878, %mul3A_873 : vector<16xf32>
        %max3A_880 = arith.constant 9.99999993E-9 : f32
        %max3A_881 = vector.broadcast %max3A_880 : f32 to vector<16xf32>
        %max3A_882 = arith.maximumf %sub3A_879, %max3A_881 : vector<16xf32>
        %div3A_883 = arith.divf %mul3A_873, %max3A_882 : vector<16xf32>
        %max3A_884 = arith.maximumf %max3A_840, %div3A_883 : vector<16xf32>
        %get3A_885 = arith.constant 0 : i32
        %get3A_886 = arith.index_cast %get3A_885 : i32 to index
        %get3A_887 = arith.constant 96 : index
        %get3A_888 = tpu.vector_load %arg9[%get3A_886, %get3A_887] {strides = array<i32>} : memref<4x112xf32, #tpu.memory_space<vmem>>, vector<16xf32>,
        %get3A_889 = arith.constant 1 : i32
        %get3A_890 = arith.index_cast %get3A_889 : i32 to index
        %get3A_891 = arith.constant 96 : index
        %get3A_892 = tpu.vector_load %arg9[%get3A_890, %get3A_891] {strides = array<i32>} : memref<4x112xf32, #tpu.memory_space<vmem>>, vector<16xf32>,
        %get3A_893 = arith.constant 2 : i32
        %get3A_894 = arith.index_cast %get3A_893 : i32 to index
        %get3A_895 = arith.constant 96 : index
        %get3A_896 = tpu.vector_load %arg9[%get3A_894, %get3A_895] {strides = array<i32>} : memref<4x112xf32, #tpu.memory_space<vmem>>, vector<16xf32>,
        %get3A_897 = arith.constant 3 : i32
        %get3A_898 = arith.index_cast %get3A_897 : i32 to index
        %get3A_899 = arith.constant 96 : index
        %get3A_900 = tpu.vector_load %arg9[%get3A_898, %get3A_899] {strides = array<i32>} : memref<4x112xf32, #tpu.memory_space<vmem>>, vector<16xf32>,
        %max3A_901 = vector.broadcast %min3A_612 : f32 to vector<16xf32>
        %max3A_902 = arith.maximumf %max3A_901, %get3A_888 : vector<16xf32>
        %max3A_903 = vector.broadcast %min3A_613 : f32 to vector<16xf32>
        %max3A_904 = arith.maximumf %max3A_903, %get3A_892 : vector<16xf32>
        %min3A_905 = vector.broadcast %max3A_614 : f32 to vector<16xf32>
        %min3A_906 = arith.minimumf %min3A_905, %get3A_896 : vector<16xf32>
        %min3A_907 = vector.broadcast %max3A_615 : f32 to vector<16xf32>
        %min3A_908 = arith.minimumf %min3A_907, %get3A_900 : vector<16xf32>
        %sub3A_909 = arith.subf %min3A_906, %max3A_902 : vector<16xf32>
        %max3A_910 = arith.constant 0.000000e+00 : f32
        %max3A_911 = vector.broadcast %max3A_910 : f32 to vector<16xf32>
        %max3A_912 = arith.maximumf %sub3A_909, %max3A_911 : vector<16xf32>
        %sub3A_913 = arith.subf %min3A_908, %max3A_904 : vector<16xf32>
        %max3A_914 = arith.constant 0.000000e+00 : f32
        %max3A_915 = vector.broadcast %max3A_914 : f32 to vector<16xf32>
        %max3A_916 = arith.maximumf %sub3A_913, %max3A_915 : vector<16xf32>
        %mul3A_917 = arith.mulf %max3A_912, %max3A_916 : vector<16xf32>
        %sub3A_918 = arith.subf %get3A_896, %get3A_888 : vector<16xf32>
        %sub3A_919 = arith.subf %get3A_900, %get3A_892 : vector<16xf32>
        %mul3A_920 = arith.mulf %sub3A_918, %sub3A_919 : vector<16xf32>
        %add3A_921 = vector.broadcast %mul3A_618 : f32 to vector<16xf32>
        %add3A_922 = arith.addf %mul3A_920, %add3A_921 : vector<16xf32>
        %sub3A_923 = arith.subf %add3A_922, %mul3A_917 : vector<16xf32>
        %max3A_924 = arith.constant 9.99999993E-9 : f32
        %max3A_925 = vector.broadcast %max3A_924 : f32 to vector<16xf32>
        %max3A_926 = arith.maximumf %sub3A_923, %max3A_925 : vector<16xf32>
        %div3A_927 = arith.divf %mul3A_917, %max3A_926 : vector<16xf32>
        %max3A_928 = arith.maximumf %max3A_884, %div3A_927 : vector<16xf32>
        %reduce_max3A_929 = arith.constant true
        %reduce_max3A_930 = vector.broadcast %reduce_max3A_929 : i1 to vector<16xi1>
        %reduce_max3A_931 = tpu.scan <max>, %max3A_928 masked %reduce_max3A_930 : vector<16xf32>, vector<16xi1> -> vector<16xf32>
        %reduce_max3A_932 = vector.extract %reduce_max3A_931[15] : f32 from vector<16xf32>
        %gt3A_933 = arith.constant 5.000000e-01 : f32
        %gt3A_934 = arith.cmpf ogt, %reduce_max3A_932, %gt3A_933 : f32
        %not3A = arith.constant true
        %not3A_935 = arith.xori %gt3A_934, %not3A : i1
        %and3A_936 = arith.andi %gt3A_562, %not3A_935 : i1
        %convert_element_type3A_937 = arith.extui %and3A_936 : i1 to i32
        %cond3A_938 = arith.constant 0 : i32
        %cond3A_939 = arith.cmpi ne, %convert_element_type3A_937, %cond3A_938 : i32
        scf.if %cond3A_939 {
          %mul3A_949 = arith.constant 8 : i32
          %mul3A_950 = arith.muli %while3A_236, %mul3A_949 : i32
          %jit3A_951 = arith.constant 16 : i32
          %div3A_952 = arith.divsi %mul3A_950, %jit3A_951 : i32
          %sign3A_953 = arith.constant 0 : i32
          %sign3A_954 = arith.cmpi sgt, %mul3A_950, %sign3A_953 : i32
          %sign3A_955 = arith.extui %sign3A_954 : i1 to i32
          %sign3A_956 = arith.constant 0 : i32
          %sign3A_957 = arith.cmpi slt, %mul3A_950, %sign3A_956 : i32
          %sign3A_958 = arith.extui %sign3A_957 : i1 to i32
          %sign3A_959 = arith.subi %sign3A_955, %sign3A_958 : i32
          %sign3A_960 = arith.constant 0 : i32
          %sign3A_961 = arith.cmpi sgt, %jit3A_951, %sign3A_960 : i32
          %sign3A_962 = arith.extui %sign3A_961 : i1 to i32
          %sign3A_963 = arith.constant 0 : i32
          %sign3A_964 = arith.cmpi slt, %jit3A_951, %sign3A_963 : i32
          %sign3A_965 = arith.extui %sign3A_964 : i1 to i32
          %sign3A_966 = arith.subi %sign3A_962, %sign3A_965 : i32
          %ne3A_967 = arith.cmpi ne, %sign3A_959, %sign3A_966 : i32
          %rem3A_968 = arith.remsi %mul3A_950, %jit3A_951 : i32
          %ne3A_969 = arith.constant 0 : i32
          %ne3A_970 = arith.cmpi ne, %rem3A_968, %ne3A_969 : i32
          %and3A_971 = arith.andi %ne3A_967, %ne3A_970 : i1
          %sub3A_972 = arith.constant 1 : i32
          %sub3A_973 = arith.subi %div3A_952, %sub3A_972 : i32
          %select_n3A_974 = arith.select %and3A_971, %sub3A_973, %div3A_952 : i32
          %mul3A_975 = arith.constant 16 : i32
          %mul3A_976 = arith.muli %select_n3A_974, %mul3A_975 : i32
          %jit3A_977 = arith.constant 16 : i32
          %eq3A_978 = arith.constant 0 : i32
          %eq3A_979 = arith.cmpi eq, %jit3A_977, %eq3A_978 : i32
          %jit3A_980 = arith.constant 1 : i32
          %select_n3A_981 = arith.select %eq3A_979, %jit3A_980, %jit3A_977 : i32
          %rem3A_982 = arith.remsi %mul3A_950, %select_n3A_981 : i32
          %ne3A_983 = arith.constant 0 : i32
          %ne3A_984 = arith.cmpi ne, %rem3A_982, %ne3A_983 : i32
          %lt3A_985 = arith.constant 0 : i32
          %lt3A_986 = arith.cmpi slt, %rem3A_982, %lt3A_985 : i32
          %lt3A_987 = arith.constant 0 : i32
          %lt3A_988 = arith.cmpi slt, %select_n3A_981, %lt3A_987 : i32
          %ne3A_989 = arith.xori %lt3A_986, %lt3A_988 : i1
          %and3A_990 = arith.andi %ne3A_989, %ne3A_984 : i1
          %add3A_991 = arith.addi %rem3A_982, %select_n3A_981 : i32
          %select_n3A_992 = arith.select %and3A_990, %add3A_991, %rem3A_982 : i32
          %get3A_993 = arith.index_cast %mul3A_976 : i32 to index
          %get3A_994 = tpu.vector_load %arg10[%get3A_993] {strides = array<i32>} : memref<800xf32, #tpu.memory_space<vmem>>, vector<16xf32>,
          %add3A_995 = arith.constant 0 : i32
          %add3A_996 = arith.addi %select_n3A_992, %add3A_995 : i32
          %eq3A_997 = vector.broadcast %add3A_996 : i32 to vector<16xi32>
          %eq3A_998 = arith.cmpi eq, %iota3A, %eq3A_997 : vector<16xi32>
          %max3A_999 = arith.constant 0.000000e+00 : f32
          %max3A_1000 = arith.maximumf %squeeze3A, %max3A_999 : f32
          %min3A_1001 = arith.constant 1.000000e+00 : f32
          %min3A_1002 = arith.minimumf %max3A_1000, %min3A_1001 : f32
          %broadcast_in_dim3A_1003 = vector.broadcast %min3A_1002 : f32 to vector<16xf32>
          %select_n3A_1004 = arith.select %eq3A_998, %broadcast_in_dim3A_1003, %get3A_994 : vector<16xi1>, vector<16xf32>
          %add3A_1005 = arith.constant 1 : i32
          %add3A_1006 = arith.addi %select_n3A_992, %add3A_1005 : i32
          %eq3A_1007 = vector.broadcast %add3A_1006 : i32 to vector<16xi32>
          %eq3A_1008 = arith.cmpi eq, %iota3A, %eq3A_1007 : vector<16xi32>
          %max3A_1009 = arith.constant 0.000000e+00 : f32
          %max3A_1010 = arith.maximumf %squeeze3A_607, %max3A_1009 : f32
          %min3A_1011 = arith.constant 1.000000e+00 : f32
          %min3A_1012 = arith.minimumf %max3A_1010, %min3A_1011 : f32
          %broadcast_in_dim3A_1013 = vector.broadcast %min3A_1012 : f32 to vector<16xf32>
          %select_n3A_1014 = arith.select %eq3A_1008, %broadcast_in_dim3A_1013, %select_n3A_1004 : vector<16xi1>, vector<16xf32>
          %add3A_1015 = arith.constant 2 : i32
          %add3A_1016 = arith.addi %select_n3A_992, %add3A_1015 : i32
          %eq3A_1017 = vector.broadcast %add3A_1016 : i32 to vector<16xi32>
          %eq3A_1018 = arith.cmpi eq, %iota3A, %eq3A_1017 : vector<16xi32>
          %max3A_1019 = arith.constant 0.000000e+00 : f32
          %max3A_1020 = arith.maximumf %squeeze3A_609, %max3A_1019 : f32
          %min3A_1021 = arith.constant 1.000000e+00 : f32
          %min3A_1022 = arith.minimumf %max3A_1020, %min3A_1021 : f32
          %broadcast_in_dim3A_1023 = vector.broadcast %min3A_1022 : f32 to vector<16xf32>
          %select_n3A_1024 = arith.select %eq3A_1018, %broadcast_in_dim3A_1023, %select_n3A_1014 : vector<16xi1>, vector<16xf32>
          %add3A_1025 = arith.constant 3 : i32
          %add3A_1026 = arith.addi %select_n3A_992, %add3A_1025 : i32
          %eq3A_1027 = vector.broadcast %add3A_1026 : i32 to vector<16xi32>
          %eq3A_1028 = arith.cmpi eq, %iota3A, %eq3A_1027 : vector<16xi32>
          %max3A_1029 = arith.constant 0.000000e+00 : f32
          %max3A_1030 = arith.maximumf %squeeze3A_611, %max3A_1029 : f32
          %min3A_1031 = arith.constant 1.000000e+00 : f32
          %min3A_1032 = arith.minimumf %max3A_1030, %min3A_1031 : f32
          %broadcast_in_dim3A_1033 = vector.broadcast %min3A_1032 : f32 to vector<16xf32>
          %select_n3A_1034 = arith.select %eq3A_1028, %broadcast_in_dim3A_1033, %select_n3A_1024 : vector<16xi1>, vector<16xf32>
          %add3A_1035 = arith.constant 4 : i32
          %add3A_1036 = arith.addi %select_n3A_992, %add3A_1035 : i32
          %eq3A_1037 = vector.broadcast %add3A_1036 : i32 to vector<16xi32>
          %eq3A_1038 = arith.cmpi eq, %iota3A, %eq3A_1037 : vector<16xi32>
          %broadcast_in_dim3A_1039 = vector.broadcast %reduce_max3A_252 : f32 to vector<16xf32>
          %select_n3A_1040 = arith.select %eq3A_1038, %broadcast_in_dim3A_1039, %select_n3A_1034 : vector<16xi1>, vector<16xf32>
          %swap3A_1041 = arith.index_cast %mul3A_976 : i32 to index
          %swap3A_1042 = tpu.vector_load %arg10[%swap3A_1041] {strides = array<i32>} : memref<800xf32, #tpu.memory_space<vmem>>, vector<16xf32>,
          tpu.vector_store %arg10[%swap3A_1041], %select_n3A_1040 {strides = array<i32>} : memref<800xf32, #tpu.memory_space<vmem>>, vector<16xf32>,
          %jit3A_1043 = arith.constant 16 : i32
          %div3A_1044 = arith.divsi %while3A_236, %jit3A_1043 : i32
          %sign3A_1045 = arith.constant 0 : i32
          %sign3A_1046 = arith.cmpi sgt, %while3A_236, %sign3A_1045 : i32
          %sign3A_1047 = arith.extui %sign3A_1046 : i1 to i32
          %sign3A_1048 = arith.constant 0 : i32
          %sign3A_1049 = arith.cmpi slt, %while3A_236, %sign3A_1048 : i32
          %sign3A_1050 = arith.extui %sign3A_1049 : i1 to i32
          %sign3A_1051 = arith.subi %sign3A_1047, %sign3A_1050 : i32
          %sign3A_1052 = arith.constant 0 : i32
          %sign3A_1053 = arith.cmpi sgt, %jit3A_1043, %sign3A_1052 : i32
          %sign3A_1054 = arith.extui %sign3A_1053 : i1 to i32
          %sign3A_1055 = arith.constant 0 : i32
          %sign3A_1056 = arith.cmpi slt, %jit3A_1043, %sign3A_1055 : i32
          %sign3A_1057 = arith.extui %sign3A_1056 : i1 to i32
          %sign3A_1058 = arith.subi %sign3A_1054, %sign3A_1057 : i32
          %ne3A_1059 = arith.cmpi ne, %sign3A_1051, %sign3A_1058 : i32
          %rem3A_1060 = arith.remsi %while3A_236, %jit3A_1043 : i32
          %ne3A_1061 = arith.constant 0 : i32
          %ne3A_1062 = arith.cmpi ne, %rem3A_1060, %ne3A_1061 : i32
          %and3A_1063 = arith.andi %ne3A_1059, %ne3A_1062 : i1
          %sub3A_1064 = arith.constant 1 : i32
          %sub3A_1065 = arith.subi %div3A_1044, %sub3A_1064 : i32
          %select_n3A_1066 = arith.select %and3A_1063, %sub3A_1065, %div3A_1044 : i32
          %mul3A_1067 = arith.constant 16 : i32
          %mul3A_1068 = arith.muli %select_n3A_1066, %mul3A_1067 : i32
          %jit3A_1069 = arith.constant 16 : i32
          %eq3A_1070 = arith.constant 0 : i32
          %eq3A_1071 = arith.cmpi eq, %jit3A_1069, %eq3A_1070 : i32
          %jit3A_1072 = arith.constant 1 : i32
          %select_n3A_1073 = arith.select %eq3A_1071, %jit3A_1072, %jit3A_1069 : i32
          %rem3A_1074 = arith.remsi %while3A_236, %select_n3A_1073 : i32
          %ne3A_1075 = arith.constant 0 : i32
          %ne3A_1076 = arith.cmpi ne, %rem3A_1074, %ne3A_1075 : i32
          %lt3A_1077 = arith.constant 0 : i32
          %lt3A_1078 = arith.cmpi slt, %rem3A_1074, %lt3A_1077 : i32
          %lt3A_1079 = arith.constant 0 : i32
          %lt3A_1080 = arith.cmpi slt, %select_n3A_1073, %lt3A_1079 : i32
          %ne3A_1081 = arith.xori %lt3A_1078, %lt3A_1080 : i1
          %and3A_1082 = arith.andi %ne3A_1081, %ne3A_1076 : i1
          %add3A_1083 = arith.addi %rem3A_1074, %select_n3A_1073 : i32
          %select_n3A_1084 = arith.select %and3A_1082, %add3A_1083, %rem3A_1074 : i32
          %get3A_1085 = arith.constant 0 : i32
          %get3A_1086 = arith.index_cast %get3A_1085 : i32 to index
          %get3A_1087 = arith.index_cast %mul3A_1068 : i32 to index
          %get3A_1088 = tpu.vector_load %arg9[%get3A_1086, %get3A_1087] {strides = array<i32>} : memref<4x112xf32, #tpu.memory_space<vmem>>, vector<16xf32>,
          %eq3A_1089 = vector.broadcast %select_n3A_1084 : i32 to vector<16xi32>
          %eq3A_1090 = arith.cmpi eq, %iota3A, %eq3A_1089 : vector<16xi32>
          %broadcast_in_dim3A_1091 = vector.broadcast %min3A_612 : f32 to vector<16xf32>
          %select_n3A_1092 = arith.select %eq3A_1090, %broadcast_in_dim3A_1091, %get3A_1088 : vector<16xi1>, vector<16xf32>
          %swap3A_1093 = arith.constant 0 : i32
          %swap3A_1094 = arith.index_cast %swap3A_1093 : i32 to index
          %swap3A_1095 = arith.index_cast %mul3A_1068 : i32 to index
          %swap3A_1096 = tpu.vector_load %arg9[%swap3A_1094, %swap3A_1095] {strides = array<i32>} : memref<4x112xf32, #tpu.memory_space<vmem>>, vector<16xf32>,
          tpu.vector_store %arg9[%swap3A_1094, %swap3A_1095], %select_n3A_1092 {strides = array<i32>} : memref<4x112xf32, #tpu.memory_space<vmem>>, vector<16xf32>,
          %get3A_1097 = arith.constant 1 : i32
          %get3A_1098 = arith.index_cast %get3A_1097 : i32 to index
          %get3A_1099 = arith.index_cast %mul3A_1068 : i32 to index
          %get3A_1100 = tpu.vector_load %arg9[%get3A_1098, %get3A_1099] {strides = array<i32>} : memref<4x112xf32, #tpu.memory_space<vmem>>, vector<16xf32>,
          %eq3A_1101 = vector.broadcast %select_n3A_1084 : i32 to vector<16xi32>
          %eq3A_1102 = arith.cmpi eq, %iota3A, %eq3A_1101 : vector<16xi32>
          %broadcast_in_dim3A_1103 = vector.broadcast %min3A_613 : f32 to vector<16xf32>
          %select_n3A_1104 = arith.select %eq3A_1102, %broadcast_in_dim3A_1103, %get3A_1100 : vector<16xi1>, vector<16xf32>
          %swap3A_1105 = arith.constant 1 : i32
          %swap3A_1106 = arith.index_cast %swap3A_1105 : i32 to index
          %swap3A_1107 = arith.index_cast %mul3A_1068 : i32 to index
          %swap3A_1108 = tpu.vector_load %arg9[%swap3A_1106, %swap3A_1107] {strides = array<i32>} : memref<4x112xf32, #tpu.memory_space<vmem>>, vector<16xf32>,
          tpu.vector_store %arg9[%swap3A_1106, %swap3A_1107], %select_n3A_1104 {strides = array<i32>} : memref<4x112xf32, #tpu.memory_space<vmem>>, vector<16xf32>,
          %get3A_1109 = arith.constant 2 : i32
          %get3A_1110 = arith.index_cast %get3A_1109 : i32 to index
          %get3A_1111 = arith.index_cast %mul3A_1068 : i32 to index
          %get3A_1112 = tpu.vector_load %arg9[%get3A_1110, %get3A_1111] {strides = array<i32>} : memref<4x112xf32, #tpu.memory_space<vmem>>, vector<16xf32>,
          %eq3A_1113 = vector.broadcast %select_n3A_1084 : i32 to vector<16xi32>
          %eq3A_1114 = arith.cmpi eq, %iota3A, %eq3A_1113 : vector<16xi32>
          %broadcast_in_dim3A_1115 = vector.broadcast %max3A_614 : f32 to vector<16xf32>
          %select_n3A_1116 = arith.select %eq3A_1114, %broadcast_in_dim3A_1115, %get3A_1112 : vector<16xi1>, vector<16xf32>
          %swap3A_1117 = arith.constant 2 : i32
          %swap3A_1118 = arith.index_cast %swap3A_1117 : i32 to index
          %swap3A_1119 = arith.index_cast %mul3A_1068 : i32 to index
          %swap3A_1120 = tpu.vector_load %arg9[%swap3A_1118, %swap3A_1119] {strides = array<i32>} : memref<4x112xf32, #tpu.memory_space<vmem>>, vector<16xf32>,
          tpu.vector_store %arg9[%swap3A_1118, %swap3A_1119], %select_n3A_1116 {strides = array<i32>} : memref<4x112xf32, #tpu.memory_space<vmem>>, vector<16xf32>,
          %get3A_1121 = arith.constant 3 : i32
          %get3A_1122 = arith.index_cast %get3A_1121 : i32 to index
          %get3A_1123 = arith.index_cast %mul3A_1068 : i32 to index
          %get3A_1124 = tpu.vector_load %arg9[%get3A_1122, %get3A_1123] {strides = array<i32>} : memref<4x112xf32, #tpu.memory_space<vmem>>, vector<16xf32>,
          %eq3A_1125 = vector.broadcast %select_n3A_1084 : i32 to vector<16xi32>
          %eq3A_1126 = arith.cmpi eq, %iota3A, %eq3A_1125 : vector<16xi32>
          %broadcast_in_dim3A_1127 = vector.broadcast %max3A_615 : f32 to vector<16xf32>
          %select_n3A_1128 = arith.select %eq3A_1126, %broadcast_in_dim3A_1127, %get3A_1124 : vector<16xi1>, vector<16xf32>
          %swap3A_1129 = arith.constant 3 : i32
          %swap3A_1130 = arith.index_cast %swap3A_1129 : i32 to index
          %swap3A_1131 = arith.index_cast %mul3A_1068 : i32 to index
          %swap3A_1132 = tpu.vector_load %arg9[%swap3A_1130, %swap3A_1131] {strides = array<i32>} : memref<4x112xf32, #tpu.memory_space<vmem>>, vector<16xf32>,
          tpu.vector_store %arg9[%swap3A_1130, %swap3A_1131], %select_n3A_1128 {strides = array<i32>} : memref<4x112xf32, #tpu.memory_space<vmem>>, vector<16xf32>,
        } else {
        }
        %convert_element_type3A_940 = arith.extui %gt3A_562 : i1 to i32
        %cond3A_941 = arith.constant 0 : i32
        %cond3A_942 = arith.cmpi ne, %convert_element_type3A_940, %cond3A_941 : i32
        scf.if %cond3A_942 {
          %mul3A_949 = arith.constant 256 : i32
          %mul3A_950 = arith.muli %reduce_min3A_309, %mul3A_949 : i32
          %sub3A_951 = arith.subi %add3A_561, %mul3A_950 : i32
          %mul3A_952 = arith.constant 2 : i32
          %mul3A_953 = arith.muli %mul3A_952, %reduce_min3A_309 : i32
          %jit3A_954 = arith.constant 128 : i32
          %div3A_955 = arith.divsi %sub3A_951, %jit3A_954 : i32
          %sign3A_956 = arith.constant 0 : i32
          %sign3A_957 = arith.cmpi sgt, %sub3A_951, %sign3A_956 : i32
          %sign3A_958 = arith.extui %sign3A_957 : i1 to i32
          %sign3A_959 = arith.constant 0 : i32
          %sign3A_960 = arith.cmpi slt, %sub3A_951, %sign3A_959 : i32
          %sign3A_961 = arith.extui %sign3A_960 : i1 to i32
          %sign3A_962 = arith.subi %sign3A_958, %sign3A_961 : i32
          %sign3A_963 = arith.constant 0 : i32
          %sign3A_964 = arith.cmpi sgt, %jit3A_954, %sign3A_963 : i32
          %sign3A_965 = arith.extui %sign3A_964 : i1 to i32
          %sign3A_966 = arith.constant 0 : i32
          %sign3A_967 = arith.cmpi slt, %jit3A_954, %sign3A_966 : i32
          %sign3A_968 = arith.extui %sign3A_967 : i1 to i32
          %sign3A_969 = arith.subi %sign3A_965, %sign3A_968 : i32
          %ne3A_970 = arith.cmpi ne, %sign3A_962, %sign3A_969 : i32
          %rem3A_971 = arith.remsi %sub3A_951, %jit3A_954 : i32
          %ne3A_972 = arith.constant 0 : i32
          %ne3A_973 = arith.cmpi ne, %rem3A_971, %ne3A_972 : i32
          %and3A_974 = arith.andi %ne3A_970, %ne3A_973 : i1
          %sub3A_975 = arith.constant 1 : i32
          %sub3A_976 = arith.subi %div3A_955, %sub3A_975 : i32
          %select_n3A_977 = arith.select %and3A_974, %sub3A_976, %div3A_955 : i32
          %add3A_978 = arith.addi %mul3A_953, %select_n3A_977 : i32
          %jit3A_979 = arith.constant 128 : i32
          %eq3A_980 = arith.constant 0 : i32
          %eq3A_981 = arith.cmpi eq, %jit3A_979, %eq3A_980 : i32
          %jit3A_982 = arith.constant 1 : i32
          %select_n3A_983 = arith.select %eq3A_981, %jit3A_982, %jit3A_979 : i32
          %rem3A_984 = arith.remsi %sub3A_951, %select_n3A_983 : i32
          %ne3A_985 = arith.constant 0 : i32
          %ne3A_986 = arith.cmpi ne, %rem3A_984, %ne3A_985 : i32
          %lt3A_987 = arith.constant 0 : i32
          %lt3A_988 = arith.cmpi slt, %rem3A_984, %lt3A_987 : i32
          %lt3A_989 = arith.constant 0 : i32
          %lt3A_990 = arith.cmpi slt, %select_n3A_983, %lt3A_989 : i32
          %ne3A_991 = arith.xori %lt3A_988, %lt3A_990 : i1
          %and3A_992 = arith.andi %ne3A_991, %ne3A_986 : i1
          %add3A_993 = arith.addi %rem3A_984, %select_n3A_983 : i32
          %select_n3A_994 = arith.select %and3A_992, %add3A_993, %rem3A_984 : i32
          %jit3A_995 = arith.constant 16 : i32
          %div3A_996 = arith.divsi %select_n3A_994, %jit3A_995 : i32
          %sign3A_997 = arith.constant 0 : i32
          %sign3A_998 = arith.cmpi sgt, %select_n3A_994, %sign3A_997 : i32
          %sign3A_999 = arith.extui %sign3A_998 : i1 to i32
          %sign3A_1000 = arith.constant 0 : i32
          %sign3A_1001 = arith.cmpi slt, %select_n3A_994, %sign3A_1000 : i32
          %sign3A_1002 = arith.extui %sign3A_1001 : i1 to i32
          %sign3A_1003 = arith.subi %sign3A_999, %sign3A_1002 : i32
          %sign3A_1004 = arith.constant 0 : i32
          %sign3A_1005 = arith.cmpi sgt, %jit3A_995, %sign3A_1004 : i32
          %sign3A_1006 = arith.extui %sign3A_1005 : i1 to i32
          %sign3A_1007 = arith.constant 0 : i32
          %sign3A_1008 = arith.cmpi slt, %jit3A_995, %sign3A_1007 : i32
          %sign3A_1009 = arith.extui %sign3A_1008 : i1 to i32
          %sign3A_1010 = arith.subi %sign3A_1006, %sign3A_1009 : i32
          %ne3A_1011 = arith.cmpi ne, %sign3A_1003, %sign3A_1010 : i32
          %rem3A_1012 = arith.remsi %select_n3A_994, %jit3A_995 : i32
          %ne3A_1013 = arith.constant 0 : i32
          %ne3A_1014 = arith.cmpi ne, %rem3A_1012, %ne3A_1013 : i32
          %and3A_1015 = arith.andi %ne3A_1011, %ne3A_1014 : i1
          %sub3A_1016 = arith.constant 1 : i32
          %sub3A_1017 = arith.subi %div3A_996, %sub3A_1016 : i32
          %select_n3A_1018 = arith.select %and3A_1015, %sub3A_1017, %div3A_996 : i32
          %mul3A_1019 = arith.constant 16 : i32
          %mul3A_1020 = arith.muli %select_n3A_1018, %mul3A_1019 : i32
          %jit3A_1021 = arith.constant 16 : i32
          %eq3A_1022 = arith.constant 0 : i32
          %eq3A_1023 = arith.cmpi eq, %jit3A_1021, %eq3A_1022 : i32
          %jit3A_1024 = arith.constant 1 : i32
          %select_n3A_1025 = arith.select %eq3A_1023, %jit3A_1024, %jit3A_1021 : i32
          %rem3A_1026 = arith.remsi %sub3A_951, %select_n3A_1025 : i32
          %ne3A_1027 = arith.constant 0 : i32
          %ne3A_1028 = arith.cmpi ne, %rem3A_1026, %ne3A_1027 : i32
          %lt3A_1029 = arith.constant 0 : i32
          %lt3A_1030 = arith.cmpi slt, %rem3A_1026, %lt3A_1029 : i32
          %lt3A_1031 = arith.constant 0 : i32
          %lt3A_1032 = arith.cmpi slt, %select_n3A_1025, %lt3A_1031 : i32
          %ne3A_1033 = arith.xori %lt3A_1030, %lt3A_1032 : i1
          %and3A_1034 = arith.andi %ne3A_1033, %ne3A_1028 : i1
          %add3A_1035 = arith.addi %rem3A_1026, %select_n3A_1025 : i32
          %select_n3A_1036 = arith.select %and3A_1034, %add3A_1035, %rem3A_1026 : i32
          %get3A_1037 = arith.index_cast %add3A_978 : i32 to index
          %get3A_1038 = arith.index_cast %mul3A_1020 : i32 to index
          %get3A_1039 = tpu.vector_load %arg6[%get3A_1037, %get3A_1038] {strides = array<i32>} : memref<160x128xf32, #tpu.memory_space<vmem>>, vector<16xf32>,
          %eq3A_1040 = vector.broadcast %select_n3A_1036 : i32 to vector<16xi32>
          %eq3A_1041 = arith.cmpi eq, %iota3A, %eq3A_1040 : vector<16xi32>
          %jit3A_1042 = arith.constant -1.000000e+30 : f32
          %broadcast_in_dim3A_1043 = vector.broadcast %jit3A_1042 : f32 to vector<16xf32>
          %select_n3A_1044 = arith.select %eq3A_1041, %broadcast_in_dim3A_1043, %get3A_1039 : vector<16xi1>, vector<16xf32>
          %swap3A_1045 = arith.index_cast %add3A_978 : i32 to index
          %swap3A_1046 = arith.index_cast %mul3A_1020 : i32 to index
          %swap3A_1047 = tpu.vector_load %arg6[%swap3A_1045, %swap3A_1046] {strides = array<i32>} : memref<160x128xf32, #tpu.memory_space<vmem>>, vector<16xf32>,
          tpu.vector_store %arg6[%swap3A_1045, %swap3A_1046], %select_n3A_1044 {strides = array<i32>} : memref<160x128xf32, #tpu.memory_space<vmem>>, vector<16xf32>,
          %mul3A_1048 = arith.constant 2 : i32
          %mul3A_1049 = arith.muli %mul3A_1048, %reduce_min3A_309 : i32
          %get3A_1050 = arith.index_cast %mul3A_1049 : i32 to index
          %get3A_1051 = arith.constant 0 : index
          %get3A_1052 = tpu.vector_load %arg6[%get3A_1050, %get3A_1051] {strides = array<i32>} : memref<160x128xf32, #tpu.memory_space<vmem>>, vector<16xf32>,
          %mul3A_1053 = arith.constant 2 : i32
          %mul3A_1054 = arith.muli %mul3A_1053, %reduce_min3A_309 : i32
          %add3A_1055 = arith.constant 0 : i32
          %add3A_1056 = arith.addi %mul3A_1054, %add3A_1055 : i32
          %get3A_1057 = arith.index_cast %add3A_1056 : i32 to index
          %get3A_1058 = arith.constant 16 : index
          %get3A_1059 = tpu.vector_load %arg6[%get3A_1057, %get3A_1058] {strides = array<i32>} : memref<160x128xf32, #tpu.memory_space<vmem>>, vector<16xf32>,
          %max3A_1060 = arith.maximumf %get3A_1052, %get3A_1059 : vector<16xf32>
          %mul3A_1061 = arith.constant 2 : i32
          %mul3A_1062 = arith.muli %mul3A_1061, %reduce_min3A_309 : i32
          %add3A_1063 = arith.constant 0 : i32
          %add3A_1064 = arith.addi %mul3A_1062, %add3A_1063 : i32
          %get3A_1065 = arith.index_cast %add3A_1064 : i32 to index
          %get3A_1066 = arith.constant 32 : index
          %get3A_1067 = tpu.vector_load %arg6[%get3A_1065, %get3A_1066] {strides = array<i32>} : memref<160x128xf32, #tpu.memory_space<vmem>>, vector<16xf32>,
          %max3A_1068 = arith.maximumf %max3A_1060, %get3A_1067 : vector<16xf32>
          %mul3A_1069 = arith.constant 2 : i32
          %mul3A_1070 = arith.muli %mul3A_1069, %reduce_min3A_309 : i32
          %add3A_1071 = arith.constant 0 : i32
          %add3A_1072 = arith.addi %mul3A_1070, %add3A_1071 : i32
          %get3A_1073 = arith.index_cast %add3A_1072 : i32 to index
          %get3A_1074 = arith.constant 48 : index
          %get3A_1075 = tpu.vector_load %arg6[%get3A_1073, %get3A_1074] {strides = array<i32>} : memref<160x128xf32, #tpu.memory_space<vmem>>, vector<16xf32>,
          %max3A_1076 = arith.maximumf %max3A_1068, %get3A_1075 : vector<16xf32>
          %mul3A_1077 = arith.constant 2 : i32
          %mul3A_1078 = arith.muli %mul3A_1077, %reduce_min3A_309 : i32
          %add3A_1079 = arith.constant 0 : i32
          %add3A_1080 = arith.addi %mul3A_1078, %add3A_1079 : i32
          %get3A_1081 = arith.index_cast %add3A_1080 : i32 to index
          %get3A_1082 = arith.constant 64 : index
          %get3A_1083 = tpu.vector_load %arg6[%get3A_1081, %get3A_1082] {strides = array<i32>} : memref<160x128xf32, #tpu.memory_space<vmem>>, vector<16xf32>,
          %max3A_1084 = arith.maximumf %max3A_1076, %get3A_1083 : vector<16xf32>
          %mul3A_1085 = arith.constant 2 : i32
          %mul3A_1086 = arith.muli %mul3A_1085, %reduce_min3A_309 : i32
          %add3A_1087 = arith.constant 0 : i32
          %add3A_1088 = arith.addi %mul3A_1086, %add3A_1087 : i32
          %get3A_1089 = arith.index_cast %add3A_1088 : i32 to index
          %get3A_1090 = arith.constant 80 : index
          %get3A_1091 = tpu.vector_load %arg6[%get3A_1089, %get3A_1090] {strides = array<i32>} : memref<160x128xf32, #tpu.memory_space<vmem>>, vector<16xf32>,
          %max3A_1092 = arith.maximumf %max3A_1084, %get3A_1091 : vector<16xf32>
          %mul3A_1093 = arith.constant 2 : i32
          %mul3A_1094 = arith.muli %mul3A_1093, %reduce_min3A_309 : i32
          %add3A_1095 = arith.constant 0 : i32
          %add3A_1096 = arith.addi %mul3A_1094, %add3A_1095 : i32
          %get3A_1097 = arith.index_cast %add3A_1096 : i32 to index
          %get3A_1098 = arith.constant 96 : index
          %get3A_1099 = tpu.vector_load %arg6[%get3A_1097, %get3A_1098] {strides = array<i32>} : memref<160x128xf32, #tpu.memory_space<vmem>>, vector<16xf32>,
          %max3A_1100 = arith.maximumf %max3A_1092, %get3A_1099 : vector<16xf32>
          %mul3A_1101 = arith.constant 2 : i32
          %mul3A_1102 = arith.muli %mul3A_1101, %reduce_min3A_309 : i32
          %add3A_1103 = arith.constant 0 : i32
          %add3A_1104 = arith.addi %mul3A_1102, %add3A_1103 : i32
          %get3A_1105 = arith.index_cast %add3A_1104 : i32 to index
          %get3A_1106 = arith.constant 112 : index
          %get3A_1107 = tpu.vector_load %arg6[%get3A_1105, %get3A_1106] {strides = array<i32>} : memref<160x128xf32, #tpu.memory_space<vmem>>, vector<16xf32>,
          %max3A_1108 = arith.maximumf %max3A_1100, %get3A_1107 : vector<16xf32>
          %mul3A_1109 = arith.constant 2 : i32
          %mul3A_1110 = arith.muli %mul3A_1109, %reduce_min3A_309 : i32
          %add3A_1111 = arith.constant 1 : i32
          %add3A_1112 = arith.addi %mul3A_1110, %add3A_1111 : i32
          %get3A_1113 = arith.index_cast %add3A_1112 : i32 to index
          %get3A_1114 = arith.constant 0 : index
          %get3A_1115 = tpu.vector_load %arg6[%get3A_1113, %get3A_1114] {strides = array<i32>} : memref<160x128xf32, #tpu.memory_space<vmem>>, vector<16xf32>,
          %max3A_1116 = arith.maximumf %max3A_1108, %get3A_1115 : vector<16xf32>
          %mul3A_1117 = arith.constant 2 : i32
          %mul3A_1118 = arith.muli %mul3A_1117, %reduce_min3A_309 : i32
          %add3A_1119 = arith.constant 1 : i32
          %add3A_1120 = arith.addi %mul3A_1118, %add3A_1119 : i32
          %get3A_1121 = arith.index_cast %add3A_1120 : i32 to index
          %get3A_1122 = arith.constant 16 : index
          %get3A_1123 = tpu.vector_load %arg6[%get3A_1121, %get3A_1122] {strides = array<i32>} : memref<160x128xf32, #tpu.memory_space<vmem>>, vector<16xf32>,
          %max3A_1124 = arith.maximumf %max3A_1116, %get3A_1123 : vector<16xf32>
          %mul3A_1125 = arith.constant 2 : i32
          %mul3A_1126 = arith.muli %mul3A_1125, %reduce_min3A_309 : i32
          %add3A_1127 = arith.constant 1 : i32
          %add3A_1128 = arith.addi %mul3A_1126, %add3A_1127 : i32
          %get3A_1129 = arith.index_cast %add3A_1128 : i32 to index
          %get3A_1130 = arith.constant 32 : index
          %get3A_1131 = tpu.vector_load %arg6[%get3A_1129, %get3A_1130] {strides = array<i32>} : memref<160x128xf32, #tpu.memory_space<vmem>>, vector<16xf32>,
          %max3A_1132 = arith.maximumf %max3A_1124, %get3A_1131 : vector<16xf32>
          %mul3A_1133 = arith.constant 2 : i32
          %mul3A_1134 = arith.muli %mul3A_1133, %reduce_min3A_309 : i32
          %add3A_1135 = arith.constant 1 : i32
          %add3A_1136 = arith.addi %mul3A_1134, %add3A_1135 : i32
          %get3A_1137 = arith.index_cast %add3A_1136 : i32 to index
          %get3A_1138 = arith.constant 48 : index
          %get3A_1139 = tpu.vector_load %arg6[%get3A_1137, %get3A_1138] {strides = array<i32>} : memref<160x128xf32, #tpu.memory_space<vmem>>, vector<16xf32>,
          %max3A_1140 = arith.maximumf %max3A_1132, %get3A_1139 : vector<16xf32>
          %mul3A_1141 = arith.constant 2 : i32
          %mul3A_1142 = arith.muli %mul3A_1141, %reduce_min3A_309 : i32
          %add3A_1143 = arith.constant 1 : i32
          %add3A_1144 = arith.addi %mul3A_1142, %add3A_1143 : i32
          %get3A_1145 = arith.index_cast %add3A_1144 : i32 to index
          %get3A_1146 = arith.constant 64 : index
          %get3A_1147 = tpu.vector_load %arg6[%get3A_1145, %get3A_1146] {strides = array<i32>} : memref<160x128xf32, #tpu.memory_space<vmem>>, vector<16xf32>,
          %max3A_1148 = arith.maximumf %max3A_1140, %get3A_1147 : vector<16xf32>
          %mul3A_1149 = arith.constant 2 : i32
          %mul3A_1150 = arith.muli %mul3A_1149, %reduce_min3A_309 : i32
          %add3A_1151 = arith.constant 1 : i32
          %add3A_1152 = arith.addi %mul3A_1150, %add3A_1151 : i32
          %get3A_1153 = arith.index_cast %add3A_1152 : i32 to index
          %get3A_1154 = arith.constant 80 : index
          %get3A_1155 = tpu.vector_load %arg6[%get3A_1153, %get3A_1154] {strides = array<i32>} : memref<160x128xf32, #tpu.memory_space<vmem>>, vector<16xf32>,
          %max3A_1156 = arith.maximumf %max3A_1148, %get3A_1155 : vector<16xf32>
          %mul3A_1157 = arith.constant 2 : i32
          %mul3A_1158 = arith.muli %mul3A_1157, %reduce_min3A_309 : i32
          %add3A_1159 = arith.constant 1 : i32
          %add3A_1160 = arith.addi %mul3A_1158, %add3A_1159 : i32
          %get3A_1161 = arith.index_cast %add3A_1160 : i32 to index
          %get3A_1162 = arith.constant 96 : index
          %get3A_1163 = tpu.vector_load %arg6[%get3A_1161, %get3A_1162] {strides = array<i32>} : memref<160x128xf32, #tpu.memory_space<vmem>>, vector<16xf32>,
          %max3A_1164 = arith.maximumf %max3A_1156, %get3A_1163 : vector<16xf32>
          %mul3A_1165 = arith.constant 2 : i32
          %mul3A_1166 = arith.muli %mul3A_1165, %reduce_min3A_309 : i32
          %add3A_1167 = arith.constant 1 : i32
          %add3A_1168 = arith.addi %mul3A_1166, %add3A_1167 : i32
          %get3A_1169 = arith.index_cast %add3A_1168 : i32 to index
          %get3A_1170 = arith.constant 112 : index
          %get3A_1171 = tpu.vector_load %arg6[%get3A_1169, %get3A_1170] {strides = array<i32>} : memref<160x128xf32, #tpu.memory_space<vmem>>, vector<16xf32>,
          %max3A_1172 = arith.maximumf %max3A_1164, %get3A_1171 : vector<16xf32>
          %reduce_max3A_1173 = arith.constant true
          %reduce_max3A_1174 = vector.broadcast %reduce_max3A_1173 : i1 to vector<16xi1>
          %reduce_max3A_1175 = tpu.scan <max>, %max3A_1172 masked %reduce_max3A_1174 : vector<16xf32>, vector<16xi1> -> vector<16xf32>
          %reduce_max3A_1176 = vector.extract %reduce_max3A_1175[15] : f32 from vector<16xf32>
          %jit3A_1177 = arith.constant 16 : i32
          %div3A_1178 = arith.divsi %reduce_min3A_309, %jit3A_1177 : i32
          %sign3A_1179 = arith.constant 0 : i32
          %sign3A_1180 = arith.cmpi sgt, %reduce_min3A_309, %sign3A_1179 : i32
          %sign3A_1181 = arith.extui %sign3A_1180 : i1 to i32
          %sign3A_1182 = arith.constant 0 : i32
          %sign3A_1183 = arith.cmpi slt, %reduce_min3A_309, %sign3A_1182 : i32
          %sign3A_1184 = arith.extui %sign3A_1183 : i1 to i32
          %sign3A_1185 = arith.subi %sign3A_1181, %sign3A_1184 : i32
          %sign3A_1186 = arith.constant 0 : i32
          %sign3A_1187 = arith.cmpi sgt, %jit3A_1177, %sign3A_1186 : i32
          %sign3A_1188 = arith.extui %sign3A_1187 : i1 to i32
          %sign3A_1189 = arith.constant 0 : i32
          %sign3A_1190 = arith.cmpi slt, %jit3A_1177, %sign3A_1189 : i32
          %sign3A_1191 = arith.extui %sign3A_1190 : i1 to i32
          %sign3A_1192 = arith.subi %sign3A_1188, %sign3A_1191 : i32
          %ne3A_1193 = arith.cmpi ne, %sign3A_1185, %sign3A_1192 : i32
          %rem3A_1194 = arith.remsi %reduce_min3A_309, %jit3A_1177 : i32
          %ne3A_1195 = arith.constant 0 : i32
          %ne3A_1196 = arith.cmpi ne, %rem3A_1194, %ne3A_1195 : i32
          %and3A_1197 = arith.andi %ne3A_1193, %ne3A_1196 : i1
          %sub3A_1198 = arith.constant 1 : i32
          %sub3A_1199 = arith.subi %div3A_1178, %sub3A_1198 : i32
          %select_n3A_1200 = arith.select %and3A_1197, %sub3A_1199, %div3A_1178 : i32
          %mul3A_1201 = arith.constant 16 : i32
          %mul3A_1202 = arith.muli %select_n3A_1200, %mul3A_1201 : i32
          %jit3A_1203 = arith.constant 16 : i32
          %eq3A_1204 = arith.constant 0 : i32
          %eq3A_1205 = arith.cmpi eq, %jit3A_1203, %eq3A_1204 : i32
          %jit3A_1206 = arith.constant 1 : i32
          %select_n3A_1207 = arith.select %eq3A_1205, %jit3A_1206, %jit3A_1203 : i32
          %rem3A_1208 = arith.remsi %reduce_min3A_309, %select_n3A_1207 : i32
          %ne3A_1209 = arith.constant 0 : i32
          %ne3A_1210 = arith.cmpi ne, %rem3A_1208, %ne3A_1209 : i32
          %lt3A_1211 = arith.constant 0 : i32
          %lt3A_1212 = arith.cmpi slt, %rem3A_1208, %lt3A_1211 : i32
          %lt3A_1213 = arith.constant 0 : i32
          %lt3A_1214 = arith.cmpi slt, %select_n3A_1207, %lt3A_1213 : i32
          %ne3A_1215 = arith.xori %lt3A_1212, %lt3A_1214 : i1
          %and3A_1216 = arith.andi %ne3A_1215, %ne3A_1210 : i1
          %add3A_1217 = arith.addi %rem3A_1208, %select_n3A_1207 : i32
          %select_n3A_1218 = arith.select %and3A_1216, %add3A_1217, %rem3A_1208 : i32
          %get3A_1219 = arith.index_cast %mul3A_1202 : i32 to index
          %get3A_1220 = tpu.vector_load %arg8[%get3A_1219] {strides = array<i32>} : memref<80xf32, #tpu.memory_space<vmem>>, vector<16xf32>,
          %eq3A_1221 = vector.broadcast %select_n3A_1218 : i32 to vector<16xi32>
          %eq3A_1222 = arith.cmpi eq, %iota3A, %eq3A_1221 : vector<16xi32>
          %broadcast_in_dim3A_1223 = vector.broadcast %reduce_max3A_1176 : f32 to vector<16xf32>
          %select_n3A_1224 = arith.select %eq3A_1222, %broadcast_in_dim3A_1223, %get3A_1220 : vector<16xi1>, vector<16xf32>
          %swap3A_1225 = arith.index_cast %mul3A_1202 : i32 to index
          %swap3A_1226 = tpu.vector_load %arg8[%swap3A_1225] {strides = array<i32>} : memref<80xf32, #tpu.memory_space<vmem>>, vector<16xf32>,
          tpu.vector_store %arg8[%swap3A_1225], %select_n3A_1224 {strides = array<i32>} : memref<80xf32, #tpu.memory_space<vmem>>, vector<16xf32>,
        } else {
        }
        %add3A_943 = arith.constant 1 : i32
        %add3A_944 = arith.addi %while3A_236, %add3A_943 : i32
        %select_n3A_945 = arith.select %and3A_936, %add3A_944, %while3A_236 : i32
        %jit3A_946 = arith.constant 1 : i32
        %jit3A_947 = arith.constant 0 : i32
        %select_n3A_948 = arith.select %gt3A_562, %jit3A_946, %jit3A_947 : i32
        scf.yield %select_n3A_945, %select_n3A_948 : i32, i32
      }
      %eq3A = arith.constant 0 : i32
      %eq3A_230 = vector.broadcast %eq3A : i32 to vector<16xi32>
      %eq3A_231 = arith.cmpi eq, %iota3A, %eq3A_230 : vector<16xi32>
      %jit3A = arith.constant 0 : i32
      %broadcast_in_dim3A_232 = vector.broadcast %while3A_229#0 : i32 to vector<16xi32>
      %broadcast_in_dim3A_233 = vector.broadcast %jit3A : i32 to vector<16xi32>
      %select_n3A = arith.select %eq3A_231, %broadcast_in_dim3A_232, %broadcast_in_dim3A_233 : vector<16xi1>, vector<16xi32>
      %swap3A_234 = arith.constant 0 : index
      %swap3A_235 = tpu.vector_load %arg11[%swap3A_234] {strides = array<i32>} : memref<16xi32, #tpu.memory_space<vmem>>, vector<16xi32>,
      tpu.vector_store %arg11[%swap3A_234], %select_n3A {strides = array<i32>} : memref<16xi32, #tpu.memory_space<vmem>>, vector<16xi32>,
      "tpu.region"() ({
        %run_scoped3A = tpu.sem_alloc : memref<!tpu.dma_semaphore, #tpu.memory_space<semaphore_mem>>
        %dma_start3A = arith.constant 0 : i32
        %dma_start3A_236 = tpu.memref_slice %arg4[%add3A, %dma_start3A] : memref<8x800xf32, #tpu.memory_space<hbm>> -> memref<1x800xf32, #tpu.memory_space<hbm>>
        %dma_start3A_237 = tpu.memref_squeeze %dma_start3A_236 : memref<1x800xf32, #tpu.memory_space<hbm>> -> memref<800xf32, #tpu.memory_space<hbm>>
        %dma_start3A_238 = arith.constant 0 : i32
        %dma_start3A_239 = tpu.memref_slice %arg4[%add3A, %dma_start3A_238] : memref<8x800xf32, #tpu.memory_space<hbm>> -> memref<1x800xf32, #tpu.memory_space<hbm>>
        %dma_start3A_240 = tpu.memref_squeeze %dma_start3A_239 : memref<1x800xf32, #tpu.memory_space<hbm>> -> memref<800xf32, #tpu.memory_space<hbm>>
        tpu.enqueue_dma source(%arg10 : memref<800xf32, #tpu.memory_space<vmem>>) target(%dma_start3A_240 : memref<800xf32, #tpu.memory_space<hbm>>) target_semaphore(%run_scoped3A : memref<!tpu.dma_semaphore, #tpu.memory_space<semaphore_mem>>)
        %dma_wait3A = arith.constant 0 : i32
        %dma_wait3A_241 = tpu.memref_slice %arg4[%add3A, %dma_wait3A] : memref<8x800xf32, #tpu.memory_space<hbm>> -> memref<1x800xf32, #tpu.memory_space<hbm>>
        %dma_wait3A_242 = tpu.memref_squeeze %dma_wait3A_241 : memref<1x800xf32, #tpu.memory_space<hbm>> -> memref<800xf32, #tpu.memory_space<hbm>>
        %dma_wait3A_243 = arith.constant 0 : i32
        %dma_wait3A_244 = tpu.memref_slice %arg4[%add3A, %dma_wait3A_243] : memref<8x800xf32, #tpu.memory_space<hbm>> -> memref<1x800xf32, #tpu.memory_space<hbm>>
        %dma_wait3A_245 = tpu.memref_squeeze %dma_wait3A_244 : memref<1x800xf32, #tpu.memory_space<hbm>> -> memref<800xf32, #tpu.memory_space<hbm>>
        tpu.wait_dma2 semaphore(%run_scoped3A : memref<!tpu.dma_semaphore, #tpu.memory_space<semaphore_mem>>) src(%arg10 : memref<800xf32, #tpu.memory_space<vmem>>) dst(%dma_wait3A_245 : memref<800xf32, #tpu.memory_space<hbm>>)
        tpu.yield
      }) : () -> ()
      "tpu.region"() ({
        %run_scoped3A = tpu.sem_alloc : memref<!tpu.dma_semaphore, #tpu.memory_space<semaphore_mem>>
        %dma_start3A = arith.constant 0 : i32
        %dma_start3A_236 = tpu.memref_slice %arg5[%add3A, %dma_start3A] : memref<8x16xi32, #tpu.memory_space<hbm>> -> memref<1x16xi32, #tpu.memory_space<hbm>>
        %dma_start3A_237 = tpu.memref_squeeze %dma_start3A_236 : memref<1x16xi32, #tpu.memory_space<hbm>> -> memref<16xi32, #tpu.memory_space<hbm>>
        %dma_start3A_238 = arith.constant 0 : i32
        %dma_start3A_239 = tpu.memref_slice %arg5[%add3A, %dma_start3A_238] : memref<8x16xi32, #tpu.memory_space<hbm>> -> memref<1x16xi32, #tpu.memory_space<hbm>>
        %dma_start3A_240 = tpu.memref_squeeze %dma_start3A_239 : memref<1x16xi32, #tpu.memory_space<hbm>> -> memref<16xi32, #tpu.memory_space<hbm>>
        tpu.enqueue_dma source(%arg11 : memref<16xi32, #tpu.memory_space<vmem>>) target(%dma_start3A_240 : memref<16xi32, #tpu.memory_space<hbm>>) target_semaphore(%run_scoped3A : memref<!tpu.dma_semaphore, #tpu.memory_space<semaphore_mem>>)
        %dma_wait3A = arith.constant 0 : i32
        %dma_wait3A_241 = tpu.memref_slice %arg5[%add3A, %dma_wait3A] : memref<8x16xi32, #tpu.memory_space<hbm>> -> memref<1x16xi32, #tpu.memory_space<hbm>>
        %dma_wait3A_242 = tpu.memref_squeeze %dma_wait3A_241 : memref<1x16xi32, #tpu.memory_space<hbm>> -> memref<16xi32, #tpu.memory_space<hbm>>
        %dma_wait3A_243 = arith.constant 0 : i32
        %dma_wait3A_244 = tpu.memref_slice %arg5[%add3A, %dma_wait3A_243] : memref<8x16xi32, #tpu.memory_space<hbm>> -> memref<1x16xi32, #tpu.memory_space<hbm>>
        %dma_wait3A_245 = tpu.memref_squeeze %dma_wait3A_244 : memref<1x16xi32, #tpu.memory_space<hbm>> -> memref<16xi32, #tpu.memory_space<hbm>>
        tpu.wait_dma2 semaphore(%run_scoped3A : memref<!tpu.dma_semaphore, #tpu.memory_space<semaphore_mem>>) src(%arg11 : memref<16xi32, #tpu.memory_space<vmem>>) dst(%dma_wait3A_245 : memref<16xi32, #tpu.memory_space<hbm>>)
        tpu.yield
      }) : () -> ()
    } else {
    }
    return
  }
}

module attributes {stable_mosaic.version = 14 : i64} {
  func.func @_score_main_body(%arg0: i32, %arg1: i32, %arg2: memref<1x80x20480xf32, #tpu.memory_space<vmem>>, %arg3: memref<1x1x20480xf32, #tpu.memory_space<vmem>>, %arg4: memref<1x4x20480xf32, #tpu.memory_space<vmem>>, %arg5: memref<1x160x128xf32, #tpu.memory_space<vmem>>, %arg6: memref<1x4x160x128xf32, #tpu.memory_space<vmem>>) attributes {dimension_semantics = [#tpu.dimension_semantics<arbitrary>, #tpu.dimension_semantics<arbitrary>], iteration_bounds = array<i64: 8, 1>, scalar_prefetch = 0 : i64, scratch_operands = 0 : i64, tpu.core_type = #tpu.core_type<tc>, window_params = [{transform_indices = @transform_0, window_bounds = array<i64: 1, 80, 20480>}, {transform_indices = @transform_1, window_bounds = array<i64: 1, 1, 20480>}, {transform_indices = @transform_2, window_bounds = array<i64: 1, 4, 20480>}, {transform_indices = @transform_3, window_bounds = array<i64: 1, 160, 128>}, {transform_indices = @transform_4, window_bounds = array<i64: 1, 4, 160, 128>}]} {
    %get3A = arith.constant 0 : index
    %get3A_0 = arith.constant 0 : index
    %get3A_1 = arith.constant 0 : index
    %get3A_2 = vector.load %arg4[%get3A, %get3A_0, %get3A_1] : memref<1x4x20480xf32, #tpu.memory_space<vmem>>, vector<1x4x20480xf32>
    %get3A_3 = vector.shape_cast %get3A_2 : vector<1x4x20480xf32> to vector<4x20480xf32>
    %reshape3A = vector.shape_cast %get3A_3 : vector<4x20480xf32> to vector<4x160x128xf32>
    %broadcast_in_dim3A = vector.shape_cast %reshape3A : vector<4x160x128xf32> to vector<1x4x160x128xf32>
    %swap3A = arith.constant 0 : index
    %swap3A_4 = arith.constant 0 : index
    %swap3A_5 = arith.constant 0 : index
    %swap3A_6 = arith.constant 0 : index
    %swap3A_7 = vector.load %arg6[%swap3A, %swap3A_4, %swap3A_5, %swap3A_6] : memref<1x4x160x128xf32, #tpu.memory_space<vmem>>, vector<1x4x160x128xf32>
    tpu.vector_store %arg6[%swap3A, %swap3A_4, %swap3A_5, %swap3A_6], %broadcast_in_dim3A {strides = array<i32>} : memref<1x4x160x128xf32, #tpu.memory_space<vmem>>, vector<1x4x160x128xf32>,
    %get3A_8 = arith.constant 0 : index
    %get3A_9 = arith.constant 0 : index
    %get3A_10 = arith.constant 0 : index
    %get3A_11 = vector.load %arg2[%get3A_8, %get3A_9, %get3A_10] : memref<1x80x20480xf32, #tpu.memory_space<vmem>>, vector<1x80x20480xf32>
    %get3A_12 = vector.shape_cast %get3A_11 : vector<1x80x20480xf32> to vector<80x20480xf32>
    %get3A_13 = arith.constant 0 : index
    %get3A_14 = arith.constant 0 : index
    %get3A_15 = arith.constant 0 : index
    %get3A_16 = vector.load %arg3[%get3A_13, %get3A_14, %get3A_15] : memref<1x1x20480xf32, #tpu.memory_space<vmem>>, vector<1x1x20480xf32>
    %get3A_17 = vector.shape_cast %get3A_16 : vector<1x1x20480xf32> to vector<20480xf32>
    %reduce_max3A = arith.constant dense<0xFF800000> : vector<20480xf32>
    %reduce_max3A_18 = vector.multi_reduction <maximumf>, %get3A_12, %reduce_max3A [0] : vector<80x20480xf32> to vector<20480xf32>
    %iota3A = tpu.iota {dimensions = array<i32: 0>} : vector<80x20480xi32>
    %broadcast_in_dim3A_19 = vector.shape_cast %reduce_max3A_18 : vector<20480xf32> to vector<1x20480xf32>
    %eq3A = vector.broadcast %broadcast_in_dim3A_19 : vector<1x20480xf32> to vector<80x20480xf32>
    %eq3A_20 = arith.cmpf oeq, %get3A_12, %eq3A : vector<80x20480xf32>
    %jit3A = arith.constant 127 : i32
    %broadcast_in_dim3A_21 = vector.broadcast %jit3A : i32 to vector<80x20480xi32>
    %select_n3A = arith.select %eq3A_20, %iota3A, %broadcast_in_dim3A_21 : vector<80x20480xi1>, vector<80x20480xi32>
    %reduce_min3A = arith.constant dense<2147483647> : vector<20480xi32>
    %reduce_min3A_22 = vector.multi_reduction <minsi>, %select_n3A, %reduce_min3A [0] : vector<80x20480xi32> to vector<20480xi32>
    %convert_element_type3A = arith.sitofp %reduce_min3A_22 : vector<20480xi32> to vector<20480xf32>
    %mul3A = arith.mulf %get3A_17, %convert_element_type3A : vector<20480xf32>
    %gt3A = arith.constant 5.000000e-02 : f32
    %gt3A_23 = vector.broadcast %gt3A : f32 to vector<20480xf32>
    %gt3A_24 = arith.cmpf ogt, %mul3A, %gt3A_23 : vector<20480xf32>
    %jit3A_25 = arith.constant -1.000000e+30 : f32
    %broadcast_in_dim3A_26 = vector.broadcast %jit3A_25 : f32 to vector<20480xf32>
    %select_n3A_27 = arith.select %gt3A_24, %mul3A, %broadcast_in_dim3A_26 : vector<20480xi1>, vector<20480xf32>
    %eq3A_28 = arith.constant 0 : i32
    %eq3A_29 = arith.cmpi eq, %arg1, %eq3A_28 : i32
    %jit3A_30 = arith.constant 20000 : i32
    %jit3A_31 = arith.constant 20480 : i32
    %select_n3A_32 = arith.select %eq3A_29, %jit3A_30, %jit3A_31 : i32
    %iota3A_33 = tpu.iota {dimensions = array<i32: 1>} : vector<1x20480xi32>
    %iota3A_34 = vector.shape_cast %iota3A_33 : vector<1x20480xi32> to vector<20480xi32>
    %lt3A = vector.broadcast %select_n3A_32 : i32 to vector<20480xi32>
    %lt3A_35 = arith.cmpi slt, %iota3A_34, %lt3A : vector<20480xi32>
    %jit3A_36 = arith.constant -1.000000e+30 : f32
    %broadcast_in_dim3A_37 = vector.broadcast %jit3A_36 : f32 to vector<20480xf32>
    %select_n3A_38 = arith.select %lt3A_35, %select_n3A_27, %broadcast_in_dim3A_37 : vector<20480xi1>, vector<20480xf32>
    %reshape3A_39 = vector.shape_cast %select_n3A_38 : vector<20480xf32> to vector<160x128xf32>
    %broadcast_in_dim3A_40 = vector.shape_cast %reshape3A_39 : vector<160x128xf32> to vector<1x160x128xf32>
    %swap3A_41 = arith.constant 0 : index
    %swap3A_42 = arith.constant 0 : index
    %swap3A_43 = arith.constant 0 : index
    %swap3A_44 = vector.load %arg5[%swap3A_41, %swap3A_42, %swap3A_43] : memref<1x160x128xf32, #tpu.memory_space<vmem>>, vector<1x160x128xf32>
    tpu.vector_store %arg5[%swap3A_41, %swap3A_42, %swap3A_43], %broadcast_in_dim3A_40 {strides = array<i32>} : memref<1x160x128xf32, #tpu.memory_space<vmem>>, vector<1x160x128xf32>,
    return
  }
  func.func @transform_0(%arg0: i32, %arg1: i32) -> (i32, i32, i32) {
    %c0_i32 = arith.constant 0 : i32
    %c0_i32_0 = arith.constant 0 : i32
    return %arg0, %c0_i32, %arg1 : i32, i32, i32
  }
  func.func @transform_1(%arg0: i32, %arg1: i32) -> (i32, i32, i32) {
    %c0_i32 = arith.constant 0 : i32
    %c0_i32_0 = arith.constant 0 : i32
    return %arg0, %c0_i32, %arg1 : i32, i32, i32
  }
  func.func @transform_2(%arg0: i32, %arg1: i32) -> (i32, i32, i32) {
    %c0_i32 = arith.constant 0 : i32
    %c0_i32_0 = arith.constant 0 : i32
    return %arg0, %c0_i32, %arg1 : i32, i32, i32
  }
  func.func @transform_3(%arg0: i32, %arg1: i32) -> (i32, i32, i32) {
    %c0_i32 = arith.constant 0 : i32
    %c0_i32_0 = arith.constant 0 : i32
    return %arg0, %arg1, %c0_i32 : i32, i32, i32
  }
  func.func @transform_4(%arg0: i32, %arg1: i32) -> (i32, i32, i32, i32) {
    %c0_i32 = arith.constant 0 : i32
    %c0_i32_0 = arith.constant 0 : i32
    %c0_i32_1 = arith.constant 0 : i32
    return %arg0, %c0_i32, %arg1, %c0_i32_0 : i32, i32, i32, i32
  }
}

</mosaic_0001>

<sc_bundles>
// kernel: kernel.4.cloned.1.call-start
scs
__scs_entry_jumppad:
0x0: {  	(pc) =	sbr.rel $0x88, $3  }
0x1: {  	(tag) =	ssettag $0x0;
	lr =	simm.s32 $0x1  }
0x2: {  	[smem:$0x3F9E] =	sst lr;
	_ =	strace $0xD0000000  }
0x3: {  	_ = 	snop  }
0x4: {  	_ = 	snop  }
0x5: {  	_ = 	snop  }
0x6: {  	_ = 	snop  }
0x7: {  	_ = 	snop  }
__scs_overlays_trampoline_lowered:
0x8: {  	[smem:$0x3FAD] =	sst s0  }
0x9: {  	[smem:$0x3FAE] =	sst s1  }
0xa: {  	[smem:$0x3FAF] =	sst s2  }
0xb: {  	[smem:$0x3FB0] =	sst s3  }
0xc: {  	[smem:$0x3FB1] =	sst s4  }
0xd: {  	[smem:$0x3FB2] =	sst s5  }
0xe: {  	[smem:$0x3FB3] =	sst s6  }
0xf: {  	[smem:$0x3FB4] =	sst s7  }
0x10: {  	[smem:$0x3FB5] =	sst s8  }
0x11: {  	[smem:$0x3FB6] =	sst s9;
	s0 =	simm.s32 @!p0 $0x0  }
0x12: {  	s1 =	sld [smem:$0x3F9C];
	s0 =	simm.s32 @p0 $0x1  }
0x13: {  	[smem:$0x3FB7] =	sst s0;
	s0 =	simm.s32 @!p1 $0x0  }
0x14: {  	s2 =	sld [smem:$0x3F9B];
	s0 =	simm.s32 @p1 $0x1  }
0x15: {  	[smem:$0x3FB8] =	sst s0;
	s0 =	simm.s32 @!p2 $0x0  }
0x16: {  	s3 =	sld [smem:$0x3FDB];
	s0 =	simm.s32 @p2 $0x1  }
0x17: {  	s4 =	simm.s32 $0x1BF5;
	[smem:$0x3FBA] =	sst s0  }
0x18: {  	s0 =	sld [smem:$0x3F9D];
	_ =	swait.ge [sflag:s4], $0x0  }
0x19: {  	s7 =	sld [smem:$0x3F9E]  }
0x1a: {  	s8 =	sadd.s32 $0xFFFFE003, lr  }
0x1b: {  	s9 =	sadd.s32 $0xFFFFFEF7, lr;
	s5 =	simm.s32 $0xFFFFFFFF;
	p2 =	slt.u32 s8, $0xFFFFF086  }
0x1c: {  	p1 =	slt.u32 s9, $0xF7A;
	s5 =	simm.s32 @!p2 $0x0  }
0x1d: {  	s5 =	simm.s32 @p1 $0x1;
	p0 =	seq.s32 s7, s2  }
0x1e: {  	s7 =	smul.u32 @!p0 $0xF7A, s2;
	p2 =	seq.s32 @!p0 s5, $0x0  }
0x1f: {  	s9 =	smul.u32 $0xF7A, s1;
	s8 =	simm.s32 @!p0 $0x1BF5;
	p2 =	por !p2, p0  }
0x20: {  	[sflag:s8] =	ssyncset.s32 @!p0 $0xFFFFF086;
	s6 =	sadd.s32 @!p0 s3, s7;
	s7 =	simm.s32 @!p0 $0x108  }
0x21: {  	s3 =	sadd.s32 s3, s9;
	s6 =	sadd.s32 @!p0 $0x88, s6;
	s7 =	simm.s32 @p2 $0x1082  }
0x22: {  	[simem:s7], [sflag:s8] =	dma.local @!p0 [hbm:s6], $0xF7A  }
0x23: {  	s9 =	sor.u32 $0xD0000000, s2;
	s6 =	simm.s32 $0x108;
	_ =	swait.ge @!p0 [sflag:s8], $0x0  }
0x24: {  	s3 =	sadd.s32 $0x88, s3;
	s6 =	simm.s32 @!p1 $0x1082;
	[sflag:s4] =	ssyncset.s32 $0xFFFFF086  }
0x25: {  	[simem:s6], [sflag:s4] =	dma.local [hbm:s3], $0xF7A  }
0x26: {  	[smem:$0x3F9E] =	sst s1;
	(tag) =	ssettag s2;
	_ =	strace s9  }
0x27: {  	s1 =	sld [smem:$0x3FAE]  }
0x28: {  	s2 =	sld [smem:$0x3FAF]  }
0x29: {  	s4 =	sld [smem:$0x3FB1]  }
0x2a: {  	p0 =	seq.s32 s5, $0x0;
	s5 =	sld [smem:$0x3FB2]  }
0x2b: {  	s6 =	sld [smem:$0x3FB3]  }
0x2c: {  	s7 =	sld [smem:$0x3FB4]  }
0x2d: {  	s3 =	simm.s32 $0x108;
	s8 =	sld [smem:$0x3FB5]  }
0x2e: {  	s3 =	simm.s32 @!p0 $0x1082;
	s9 =	sld [smem:$0x3FB6]  }
0x2f: {  	lr =	sadd.s32 s0, s3;
	s0 =	sld [smem:$0x3FAD]  }
0x30: {  	s3 =	sld [smem:$0x3FB0]  }
0x31: {  	[smem:$0x3FB9] =	sst s10  }
0x32: {  	s10 =	sld [smem:$0x3FB7];
	_ =	sdelay $0x3  }
0x33: {  	p0 =	seq.s32 s10, $0x1;
	s10 =	sld [smem:$0x3FB9];
	_ =	sdelay $0x3  }
0x34: {  	[smem:$0x3FB9] =	sst s10  }
0x35: {  	s10 =	sld [smem:$0x3FB8];
	_ =	sdelay $0x3  }
0x36: {  	p1 =	seq.s32 s10, $0x1;
	s10 =	sld [smem:$0x3FB9];
	_ =	sdelay $0x3  }
0x37: {  	[smem:$0x3FB9] =	sst s10  }
0x38: {  	s10 =	sld [smem:$0x3FBA]  }
0x39: {  	_ = 	snop;
	(pc) =	sbr.ind lr, $3  }
0x3a: {  	_ = 	snop  }
0x3b: {  	_ = 	snop  }
0x3c: {  	p2 =	seq.s32 s10, $0x1;
	s10 =	sld [smem:$0x3FB9]  }
0x3d: {  	_ =	shalt  }
0x3e: {  	_ =	shalt  }
0x3f: {  	_ =	shalt  }
0x40: {  	_ =	shalt  }
0x41: {  	_ =	shalt  }
0x42: {  	_ =	shalt  }
0x43: {  	_ =	shalt  }
0x44: {  	_ =	shalt  }
0x45: {  	_ =	shalt  }
0x46: {  	_ =	shalt  }
0x47: {  	_ =	shalt  }
0x48: {  	_ =	shalt  }
0x49: {  	_ =	shalt  }
0x4a: {  	_ =	shalt  }
0x4b: {  	_ =	shalt  }
0x4c: {  	_ =	shalt  }
0x4d: {  	_ =	shalt  }
0x4e: {  	_ =	shalt  }
0x4f: {  	_ =	shalt  }
0x50: {  	_ =	shalt  }
0x51: {  	_ =	shalt  }
0x52: {  	_ =	shalt  }
0x53: {  	_ =	shalt  }
0x54: {  	_ =	shalt  }
0x55: {  	_ =	shalt  }
0x56: {  	_ =	shalt  }
0x57: {  	_ =	shalt  }
0x58: {  	_ =	shalt  }
0x59: {  	_ =	shalt  }
0x5a: {  	_ =	shalt  }
0x5b: {  	_ =	shalt  }
0x5c: {  	_ =	shalt  }
0x5d: {  	_ =	shalt  }
0x5e: {  	_ =	shalt  }
0x5f: {  	_ =	shalt  }
0x60: {  	_ =	shalt  }
0x61: {  	_ =	shalt  }
0x62: {  	_ =	shalt  }
0x63: {  	_ =	shalt  }
0x64: {  	_ =	shalt  }
0x65: {  	_ =	shalt  }
0x66: {  	_ =	shalt  }
0x67: {  	_ =	shalt  }
0x68: {  	_ =	shalt  }
0x69: {  	_ =	shalt  }
0x6a: {  	_ =	shalt  }
0x6b: {  	_ =	shalt  }
0x6c: {  	_ =	shalt  }
0x6d: {  	_ =	shalt  }
0x6e: {  	_ =	shalt  }
0x6f: {  	_ =	shalt  }
0x70: {  	_ =	shalt  }
0x71: {  	_ =	shalt  }
0x72: {  	_ =	shalt  }
0x73: {  	_ =	shalt  }
0x74: {  	_ =	shalt  }
0x75: {  	_ =	shalt  }
0x76: {  	_ =	shalt  }
0x77: {  	_ =	shalt  }
0x78: {  	_ =	shalt  }
0x79: {  	_ =	shalt  }
0x7a: {  	_ =	shalt  }
0x7b: {  	_ =	shalt  }
0x7c: {  	_ =	shalt  }
0x7d: {  	_ =	shalt  }
0x7e: {  	_ =	shalt  }
0x7f: {  	_ =	shalt  }
0x80: {  	_ =	shalt  }
0x81: {  	_ =	shalt  }
0x82: {  	_ =	shalt  }
0x83: {  	_ =	shalt  }
0x84: {  	_ =	shalt  }
0x85: {  	_ =	shalt  }
0x86: {  	_ =	shalt  }
0x87: {  	_ =	shalt  }
.Lfunc_end0:
.L_simem_size_0:
called_computation_lowered:
.L_overlay_start_0:
0x88: {  	s2 =	sld [smem:$0x3FD9]  }
0x89: {  	s3 =	sld [smem:$0x3FFE];
	_ =	sdelay $0x1  }
0x8a: {  	s1 =	srdreg.scid  }
0x8b: {  	s0 =	sand.u32 $0x1, s1  }
0x8c: {  	s14 =	sshll.u32 s0, $0xA;
	s2 =	sadd.s32 s3, s2  }
0x8d: {  	s2 =	sadd.s32 s2, s14  }
0x8e: {  	[smem:$0x3FC5] =	sst s2  }
0x8f: {  	_ = 	snop  }
0x90: {  	s2 =	sld [smem:$0x3FD0];
	_ =	sdelay $0x2  }
0x91: {  	s15 =	simm.s32 $0xA;
	s4 =	simm.s32 $0x10  }
0x92: {  	[smem:s4], [sflag:s15] =	dma.local [hbm:s2], $0x1  }
0x93: {  	_ =	swait.eq [sflag:s15], $0x1  }
0x94: {  	[sflag:s15] =	ssyncset.done $0x0  }
0x95: {  	[sflag:s15] =	ssyncadd.s32 $0xFFFFFFFF  }
0x96: {  	s16 =	sld [smem:$0x10];
	(tm) =	ssettm $0x1  }
0x97: {  	s17 =	sld [smem:$0x3FFB];
	_ =	sdelay $0x3  }
0x98: {  	_ =	strace s17  }
0x99: {  	s3 =	sld [smem:$0x3FFC];
	_ =	sdelay $0x3  }
0x9a: {  	_ =	strace s3  }
0x9b: {  	s3 =	sld [smem:$0x3FFD];
	_ =	sdelay $0x3  }
0x9c: {  	_ =	strace s3  }
0x9d: {  	_ =	strace $0x8FFFFFFF  }
0x9e: {  	s18 =	sld [smem:$0x3FDB];
	_ =	sdelay $0x1  }
0x9f: {  	s19 =	simm.s32 $_scs_section_size  }
0xa0: {  	s5 =	simm.s32 $_size__tile_overlayer_lowered;
	s6 =	simm.s32 $_tile_overlayer_lowered  }
0xa1: {  	s22 =	simm.s32 $0x1BFF;
	s21 =	sshll.u32 s6, $0x1;
	s3 =	sadd.s32 s19, s18  }
0xa2: {  	s7 =	simm.s32 $0x0;
	s20 =	sshll.u32 s5, $0x1;
	s5 =	sadd.s32 s21, s3  }
0xa3: {  	[timem:s7], [sflag:s22] =	dma.local [hbm:s5], s20  }
0xa4: {  	_ =	swait.ge [sflag:s22], s20  }
0xa5: {  	s4 =	ssub.s32 $0x0, s20;
	[sflag:s22] =	ssyncset.done $0x0  }
0xa6: {  	[sflag:s22] =	ssyncadd.s32 s4;
	_ =	sdelay $0x1  }
0xa7: {  	s23 =	simm.s32 $0x1B8B  }
0xa8: {  	_ =	swait.ge [sflag:s23], $0x1  }
0xa9: {  	[sflag:s23] =	ssyncset.done $0x0  }
0xaa: {  	s25 =	simm.s32 $0x1B8E;
	s24 =	sld [smem:$0x3FFE];
	[sflag:s23] =	ssyncadd.s32 $0xFFFFFFFF  }
0xab: {  	s26 =	simm.s32 $execute0_lowered;
	[smem:$0x3FD2] =	sst s25  }
0xac: {  	s5 =	sshll.u32 s26, $0x1;
	_ =	strace $0x80000046;
	[dreg:$0x1] =	wrdreg $0xFFFFFFFF  }
0xad: {  	s28 =	simm.s32 $_size_execute0_lowered;
	s3 =	sadd.s32 s3, s5;
	[dreg:$0x0] =	wrdreg $0x0  }
0xae: {  	s5 =	sshll.u32 s28, $0x1;
	[dreg:$0x2] =	wrdreg s3  }
0xaf: {  	[dreg:$0x3] =	wrdreg s5  }
0xb0: {  	[dreg:$0x4] =	wrdreg $0xC0  }
0xb1: {  	_ =	task [dreg:s7], $0x5FFFF  }
0xb2: {  	[dreg:$0x1] =	wrdreg $0xFFFFFFFF  }
0xb3: {  	[dreg:$0x0] =	wrdreg $0x60  }
0xb4: {  	[dreg:$0x2] =	wrdreg s24  }
0xb5: {  	[dreg:$0x3] =	wrdreg s16  }
0xb6: {  	[dreg:$0x4] =	wrdreg $0x9  }
0xb7: {  	_ =	task.clear_ibuf [dreg:s7], $0x5FFFF;
	_ =	strace $0x90000046  }
0xb8: {  	s29 =	simm.s32 $0x9;
	_ =	strace $0x80000048  }
0xb9: {  	_ =	swait.ge [sflag:s29], $0x1  }
0xba: {  	[sflag:s29] =	ssyncadd.s32 $0xFFFFFFFF  }
0xbb: {  	_ =	strace $0x90000048  }
0xbc: {  	_ =	sfence  }
0xbd: {  	s30 =	sld [smem:$0x0];
	_ =	sdelay $0x2  }
0xbe: {  	s31 =	sshll.u32 s1, $0xD;
	s1 =	sshrl.u32 s1, $0x2  }
0xbf: {  	s3 =	sand.u32 $0x4000, s31;
	s1 =	sadd.s32 s1, s30  }
0xc0: {  	s0 =	sor.u32 s3, s0;
	s1 =	sshll.u32 s1, $0x11  }
0xc1: {  	s0 =	sor.u32 s1, s0  }
0xc2: {  	s0 =	sadd.s32 $0x8F2B, s0  }
0xc3: {  	[sflag:s0] =	ssyncadd.remote.s32 $0x1  }
0xc4: {  	_ =	sfence.sel $0xFFFF  }
0xc5: {  	[dreg:$0x0] =	wrdreg $0xFFFFFFFF;
	(pc) =	sbr.abs _section_cstart, $3  }
0xc6: {  	[dreg:$0x1] =	wrdreg $0xFFFFFFFF  }
0xc7: {  	_ =	task.clear_ibuf [dreg:s7], $0x2FFFF;
	_ =	strace $0x9FFFFFFF  }
0xc8: {  	(tm) =	ssettm $0x7FFFFFFF  }
0xc9: {  	_ =	shalt  }
tec
execute0_lowered:
.L_overlay_start_1:
0x0: {  	(tag) =	ssettag $0x1  }
0x1: {  	s1 =	stileid.u32  }
0x2: {  	p0 =	sgt.u32 s1, $0x3  }
.Ltmp0:
0x3: {  	_ = 	snop;
	(pc) =	sbr.rel @p0 .LBB2_7-.Ltmp0, $4  }
0x4: {  	s4 =	rddreg [dreg:$0x0]  }
0x5: {  	s5 =	rddreg [dreg:$0x1];
	s2 =	simm.s32 $0x0  }
0x6: {  	[smem:$0x7FF] =	sst s2  }
0x7: {  	s0 =	rddreg [dreg:$0x2];
	_ =	strace $0x80000047  }
0x8: {  	s3 =	srdreg.scid;
	s29 =	sshll.u32 s1, $0x1;
	s8 =	sadd.s32 $0x14E00, s4;
	v0 =	vimm.f32 $0.0e+00;
	v2 =	vlaneseq.u32;
	v3 =	vimm.f32 $1.000000020e+30  }
0x9: {  	v17 =	vimm.s32 $0xF000;
	vm0 =	vcmask $0x300;
	s11 =	simm.s32 $0x400;
	s12 =	simm.s32 $0x19280;
	s6 =	sand.u32 $0x1, s3;
	v4 =	vor.u32 $0x80000040, v2  }
0xa: {  	v5 =	vor.u32 $0x80000030, v2;
	v6 =	vor.u32 $0x80000020, v2;
	v7 =	vor.u32 $0x80000010, v2;
	s7 =	sor.u32 s6, s29  }
0xb: {  	v1 =	vimm.s32 $0x0;
	s13 =	simm.s32 $0x19600;
	s14 =	simm.s32 $0x0;
	v8 =	vor.u32 $0x800000F0, v2;
	v9 =	vor.u32 $0x800000E0, v2;
	s3 =	smul.u32 $0x2800, s7  }
0xc: {  	vm1 =	vcmask $0x704;
	v10 =	vor.u32 $0x800000D0, v2;
	v11 =	vor.u32 $0x800000C0, v2;
	s6 =	ssub.s32 $0x2, s6;
	s9 =	smul.u32 $0xA00, s7;
	s7 =	sshll.u32 s7, $0x4  }
0xd: {  	v12 =	vor.u32 $0x800000B0, v2;
	v13 =	vor.u32 $0x800000A0, v2;
	v14 =	vor.u32 $0x80000090, v2;
	s10 =	sshrl.u32 s6, $0x1;
	s30 =	sadd.s32 s7, s4;
	s5 =	sadd.s32 s5, s7  }
0xe: {  	v15 =	vor.u32 $0x80000080, v2;
	v16 =	vor.u32 $0x80000070, v2;
	v18 =	vsel vm0, $0x0, v17;
	s31 =	ssub.s32 s6, s10;
	s10 =	simm.s32 $0x80;
	s3 =	sadd.s32 s3, s4  }
0xf: {  	v17 =	vor.u32 $0x80000060, v2;
	v20 =	vsel vm1, $0x5000, v18;
	vm1 =	vcmask $0xB08;
	s4 =	sadd.s32 $0x19E00, s30;
	s6 =	sadd.s32 s8, s9;
	s7 =	smax.u32 s31, $0x1  }
0x10: {  	v19 =	vor.u32 $0x80000050, v2;
	v18 =	vor.u32 $0x80000000, v2;
	v20 =	vsel vm1, $0xA000, v20;
	s8 =	simm.s32 $0x1;
	s9 =	simm.s32 $0x5000;
	s3 =	sadd.s32 $0xE00, s3  }
.LBB2_2:
0x11: {  	s15 =	simm.s32 $0x0  }
0x12: {  	[tilespmem:s15], [sflag:$0x1] =	stream.linear.gather [hbm4b:s6+s15], $0x5000, $0x38;
	[tilespmem:$0x19680] =	vst v63  }
0x13: {  	_ =	swait.ge [sflag:s8], $0x5000  }
0x14: {  	[sflag:s8] =	ssyncset.done $0x0  }
0x15: {  	[sflag:s8] =	ssyncadd.s32 $0xFFFFB000  }
0x16: {  	[tilespmem:s9], [sflag:$0x1] =	stream.linear.gather [hbm4b:s3+s15], $0x14000, $0x38;
	[tilespmem:$0x19680] =	vst v63  }
0x17: {  	_ =	swait.ge [sflag:s8], $0x14000  }
0x18: {  	[sflag:s8] =	ssyncset.done $0x0  }
0x19: {  	[sflag:s8] =	ssyncadd.s32 $0xFFFEC000  }
0x1a: {  	[tilespmem:$0x19280] =	vst v0  }
0x1b: {  	[tilespmem:$0x19290] =	vst v0  }
0x1c: {  	[tilespmem:$0x192A0] =	vst v0  }
0x1d: {  	[tilespmem:$0x192B0] =	vst v0  }
0x1e: {  	[tilespmem:$0x192C0] =	vst v0  }
0x1f: {  	[tilespmem:$0x192D0] =	vst v0  }
0x20: {  	[tilespmem:$0x192E0] =	vst v0  }
0x21: {  	[tilespmem:$0x192F0] =	vst v0  }
0x22: {  	[tilespmem:$0x19300] =	vst v0  }
0x23: {  	[tilespmem:$0x19310] =	vst v0  }
0x24: {  	[tilespmem:$0x19320] =	vst v0  }
0x25: {  	[tilespmem:$0x19330] =	vst v0  }
0x26: {  	[tilespmem:$0x19340] =	vst v0  }
0x27: {  	[tilespmem:$0x19350] =	vst v0  }
0x28: {  	[tilespmem:$0x19360] =	vst v0  }
0x29: {  	[tilespmem:$0x19370] =	vst v0  }
0x2a: {  	[tilespmem:$0x19380] =	vst v0  }
0x2b: {  	[tilespmem:$0x19390] =	vst v0  }
0x2c: {  	[tilespmem:$0x193A0] =	vst v0  }
0x2d: {  	[tilespmem:$0x193B0] =	vst v0  }
0x2e: {  	[tilespmem:$0x193C0] =	vst v0  }
0x2f: {  	[tilespmem:$0x193D0] =	vst v0  }
0x30: {  	[tilespmem:$0x193E0] =	vst v0  }
0x31: {  	[tilespmem:$0x193F0] =	vst v0  }
0x32: {  	[tilespmem:$0x19400] =	vst v0  }
0x33: {  	[tilespmem:$0x19410] =	vst v0  }
0x34: {  	[tilespmem:$0x19420] =	vst v0  }
0x35: {  	[tilespmem:$0x19430] =	vst v0  }
0x36: {  	[tilespmem:$0x19440] =	vst v0  }
0x37: {  	[tilespmem:$0x19450] =	vst v0  }
0x38: {  	[tilespmem:$0x19460] =	vst v0  }
0x39: {  	[tilespmem:$0x19470] =	vst v0  }
0x3a: {  	[tilespmem:$0x19480] =	vst v0  }
0x3b: {  	[tilespmem:$0x19490] =	vst v0  }
0x3c: {  	[tilespmem:$0x194A0] =	vst v0  }
0x3d: {  	[tilespmem:$0x194B0] =	vst v0  }
0x3e: {  	[tilespmem:$0x194C0] =	vst v0  }
0x3f: {  	[tilespmem:$0x194D0] =	vst v0  }
0x40: {  	[tilespmem:$0x194E0] =	vst v0  }
0x41: {  	[tilespmem:$0x194F0] =	vst v0  }
0x42: {  	[tilespmem:$0x19500] =	vst v0  }
0x43: {  	[tilespmem:$0x19510] =	vst v0  }
0x44: {  	[tilespmem:$0x19520] =	vst v0  }
0x45: {  	[tilespmem:$0x19530] =	vst v0  }
0x46: {  	[tilespmem:$0x19540] =	vst v0  }
0x47: {  	[tilespmem:$0x19550] =	vst v0  }
0x48: {  	[tilespmem:$0x19560] =	vst v0  }
0x49: {  	[tilespmem:$0x19570] =	vst v0  }
0x4a: {  	[tilespmem:$0x19580] =	vst v0  }
0x4b: {  	[tilespmem:$0x19590] =	vst v0  }
0x4c: {  	[tilespmem:$0x19600] =	vst v1  }
0x4d: {  	[tilespmem:$0x19080] =	vst v3  }
0x4e: {  	[tilespmem:$0x19090] =	vst v3  }
0x4f: {  	[tilespmem:$0x190A0] =	vst v3  }
0x50: {  	[tilespmem:$0x190B0] =	vst v3  }
0x51: {  	[tilespmem:$0x190C0] =	vst v3  }
0x52: {  	[tilespmem:$0x190D0] =	vst v3  }
0x53: {  	[tilespmem:$0x190E0] =	vst v3  }
0x54: {  	[tilespmem:$0x19100] =	vst v3  }
0x55: {  	[tilespmem:$0x19110] =	vst v3  }
0x56: {  	[tilespmem:$0x19120] =	vst v3  }
0x57: {  	[tilespmem:$0x19130] =	vst v3  }
0x58: {  	[tilespmem:$0x19140] =	vst v3  }
0x59: {  	[tilespmem:$0x19150] =	vst v3  }
0x5a: {  	[tilespmem:$0x19160] =	vst v3  }
0x5b: {  	[tilespmem:$0x19180] =	vst v3  }
0x5c: {  	[tilespmem:$0x19190] =	vst v3  }
0x5d: {  	[tilespmem:$0x191A0] =	vst v3  }
0x5e: {  	[tilespmem:$0x191B0] =	vst v3  }
0x5f: {  	[tilespmem:$0x191C0] =	vst v3  }
0x60: {  	[tilespmem:$0x191D0] =	vst v3  }
0x61: {  	[tilespmem:$0x191E0] =	vst v3  }
0x62: {  	[tilespmem:$0x19200] =	vst v3  }
0x63: {  	[tilespmem:$0x19210] =	vst v3  }
0x64: {  	[tilespmem:$0x19220] =	vst v3  }
0x65: {  	[tilespmem:$0x19230] =	vst v3  }
0x66: {  	[tilespmem:$0x19240] =	vst v3  }
0x67: {  	[tilespmem:$0x19250] =	vst v3  }
0x68: {  	[tilespmem:$0x19260] =	vst v3  }
0x69: {  	v21 =	vld [tilespmem:s10+$0xFFFFFF90]  }
0x6a: {  	v22 =	vld [tilespmem:s10+$0xFFFFFF80]  }
0x6b: {  	v23 =	vld [tilespmem:s10+$0xFFFFFFA0]  }
0x6c: {  	v24 =	vld [tilespmem:s10+$0xFFFFFFB0]  }
0x6d: {  	v25 =	vld [tilespmem:s10+$0xFFFFFFC0]  }
0x6e: {  	v26 =	vld [tilespmem:s10+$0xFFFFFFD0]  }
0x6f: {  	v21 =	vmax.f32 v22, v21;
	v22 =	vld [tilespmem:s10+$0xFFFFFFE0]  }
0x70: {  	v21 =	vmax.f32 v21, v23;
	v23 =	vld [tilespmem:s10+$0xFFFFFFF0]  }
0x71: {  	v58 =	vld [tilespmem:s10+$0x0];
	v21 =	vmax.f32 v21, v24  }
0x72: {  	v59 =	vld [tilespmem:s10+$0x10];
	v21 =	vmax.f32 v21, v25  }
0x73: {  	v60 =	vld [tilespmem:s10+$0x20];
	v21 =	vmax.f32 v21, v26  }
0x74: {  	v21 =	vmax.f32 v21, v22;
	v22 =	vld [tilespmem:s10+$0x30]  }
0x75: {  	v21 =	vmax.f32 v21, v23;
	v23 =	vld [tilespmem:s10+$0x40]  }
0x76: {  	v61 =	vld [tilespmem:s10+$0x50];
	v21 =	vmax.f32 v21, v58  }
0x77: {  	v62 =	vld [tilespmem:s10+$0x60];
	v21 =	vmax.f32 v21, v59  }
0x78: {  	v63 =	vld [tilespmem:s10+$0x70];
	v21 =	vmax.f32 v21, v60  }
0x79: {  	v21 =	vmax.f32 v21, v22  }
0x7a: {  	v21 =	vmax.f32 v21, v23  }
0x7b: {  	v21 =	vmax.f32 v21, v61  }
0x7c: {  	v21 =	vmax.f32 v21, v62  }
0x7d: {  	v21 =	vmax.f32 v21, v63  }
0x7e: {  	(xrf0) =	vmax.scan.msk.f32 $0xffff, v21;
	_ =	sdelay $0x1  }
0x7f: {  	s16 =	sand.u32 $0x1C0, s15  }
0x80: {  	s16 =	sshrl.u32 s16, $0x2  }
0x81: {  	v21 =	vld [tilespmem:s16+$0x19000];
	_ =	sdelay $0x1  }
0x82: {  	s17 =	sand.u32 $0xF, s15;
	v22, _, _ =	vpop (xrf0)  }
0x83: {  	v23 =	vmov s17;
	v22 =	vbroadcast v22, $0xF  }
0x84: {  	vm1 =	veq.s32 v23, v2  }
0x85: {  	v21 =	vsel vm1, v22, v21  }
0x86: {  	s18 =	simm.s32 $0x180;
	[tilespmem:s16+$0x19000] =	vst v21  }
0x87: {  	v21 =	vld [tilespmem:s18+$0xFFFFFF90]  }
0x88: {  	s19 =	simm.s32 $0x2;
	s17 =	simm.s32 $0x0;
	s16 =	simm.s32 $0x1;
	v22 =	vld [tilespmem:s18+$0xFFFFFF80]  }
.LBB2_3:
0x89: {  	p0 =	sne.s32 s19, $0x4F;
	v23 =	vld [tilespmem:s18+$0xFFFFFFA0]  }
0x8a: {  	v24 =	vld [tilespmem:s18+$0xFFFFFFB0]  }
0x8b: {  	v25 =	vld [tilespmem:s18+$0xFFFFFFC0]  }
0x8c: {  	v26 =	vld [tilespmem:s18+$0xFFFFFFD0]  }
0x8d: {  	v21 =	vmax.f32 v22, v21;
	v22 =	vld [tilespmem:s18+$0xFFFFFFE0]  }
0x8e: {  	v21 =	vmax.f32 v21, v23;
	v23 =	vld [tilespmem:s18+$0xFFFFFFF0]  }
0x8f: {  	v21 =	vmax.f32 v21, v24;
	v24 =	vld [tilespmem:s18+$0x0]  }
0x90: {  	v21 =	vmax.f32 v21, v25;
	v25 =	vld [tilespmem:s18+$0x10]  }
0x91: {  	v21 =	vmax.f32 v21, v26;
	v26 =	vld [tilespmem:s18+$0x20]  }
0x92: {  	v21 =	vmax.f32 v21, v22;
	v22 =	vld [tilespmem:s18+$0x30]  }
0x93: {  	v21 =	vmax.f32 v21, v23;
	v23 =	vld [tilespmem:s18+$0x40]  }
0x94: {  	v21 =	vmax.f32 v21, v24;
	v24 =	vld [tilespmem:s18+$0x50]  }
0x95: {  	v21 =	vmax.f32 v21, v25;
	v25 =	vld [tilespmem:s18+$0x60]  }
0x96: {  	v21 =	vmax.f32 v21, v26;
	v26 =	vld [tilespmem:s18+$0x70]  }
0x97: {  	v21 =	vmax.f32 v21, v22  }
0x98: {  	v21 =	vmax.f32 v21, v23  }
0x99: {  	v21 =	vmax.f32 v21, v24  }
0x9a: {  	v21 =	vmax.f32 v21, v25  }
0x9b: {  	v21 =	vmax.f32 v21, v26  }
0x9c: {  	(xrf0) =	vmax.scan.msk.f32 $0xffff, v21  }
0x9d: {  	s17 =	sadd.s32 $0x4, s17  }
0x9e: {  	s20 =	sand.u32 $0x1C0, s17  }
0x9f: {  	s20 =	sshrl.u32 s20, $0x2  }
0xa0: {  	v21 =	vld [tilespmem:s20+$0x19000];
	_ =	sdelay $0x1  }
0xa1: {  	s21 =	sand.u32 $0xF, s16;
	s16 =	smov.u32 s19;
	v22, _, _ =	vpop (xrf0)  }
0xa2: {  	v23 =	vmov s21;
	v22 =	vbroadcast v22, $0xF  }
.Ltmp1:
0xa3: {  	vm1 =	veq.s32 v23, v2;
	(pc) =	sbr.rel @p0 .LBB2_3-.Ltmp1, $4  }
0xa4: {  	v21 =	vsel vm1, v22, v21  }
0xa5: {  	s18 =	sadd.s32 $0x100, s18;
	[tilespmem:s20+$0x19000] =	vst v21  }
0xa6: {  	v21 =	vld [tilespmem:s18+$0xFFFFFF90]  }
0xa7: {  	s19 =	sadd.s32 $0x1, s19;
	v22 =	vld [tilespmem:s18+$0xFFFFFF80]  }
0xa8: {  	v23 =	vld [tilespmem:s18+$0xFFFFFFA0]  }
0xa9: {  	v24 =	vld [tilespmem:s18+$0xFFFFFFB0]  }
0xaa: {  	v25 =	vld [tilespmem:s18+$0xFFFFFFC0]  }
0xab: {  	v26 =	vld [tilespmem:s18+$0xFFFFFFD0]  }
0xac: {  	v21 =	vmax.f32 v22, v21;
	v22 =	vld [tilespmem:s18+$0xFFFFFFE0]  }
0xad: {  	v21 =	vmax.f32 v21, v23;
	v23 =	vld [tilespmem:s18+$0xFFFFFFF0]  }
0xae: {  	v58 =	vld [tilespmem:s18+$0x0];
	v21 =	vmax.f32 v21, v24  }
0xaf: {  	v59 =	vld [tilespmem:s18+$0x10];
	v21 =	vmax.f32 v21, v25  }
0xb0: {  	v60 =	vld [tilespmem:s18+$0x20];
	v21 =	vmax.f32 v21, v26  }
0xb1: {  	v21 =	vmax.f32 v21, v22;
	v22 =	vld [tilespmem:s18+$0x30]  }
0xb2: {  	v21 =	vmax.f32 v21, v23;
	v23 =	vld [tilespmem:s18+$0x40]  }
0xb3: {  	v61 =	vld [tilespmem:s18+$0x50];
	v21 =	vmax.f32 v21, v58  }
0xb4: {  	v62 =	vld [tilespmem:s18+$0x60];
	v21 =	vmax.f32 v21, v59  }
0xb5: {  	v63 =	vld [tilespmem:s18+$0x70];
	v21 =	vmax.f32 v21, v60  }
0xb6: {  	v21 =	vmax.f32 v21, v22  }
0xb7: {  	v21 =	vmax.f32 v21, v23  }
0xb8: {  	v21 =	vmax.f32 v21, v61  }
0xb9: {  	v21 =	vmax.f32 v21, v62  }
0xba: {  	v21 =	vmax.f32 v21, v63  }
0xbb: {  	(xrf0) =	vmax.scan.msk.f32 $0xffff, v21  }
0xbc: {  	s17 =	sadd.s32 $0x4, s17  }
0xbd: {  	s17 =	sand.u32 $0x1C0, s17  }
0xbe: {  	s17 =	sshrl.u32 s17, $0x2  }
0xbf: {  	v21 =	vld [tilespmem:s17+$0x19000];
	_ =	sdelay $0x1  }
0xc0: {  	s16 =	sand.u32 $0xF, s16;
	v22, _, _ =	vpop (xrf0)  }
0xc1: {  	v23 =	vmov s16;
	v22 =	vbroadcast v22, $0xF  }
0xc2: {  	vm1 =	veq.s32 v23, v2  }
0xc3: {  	v21 =	vsel vm1, v22, v21  }
0xc4: {  	[tilespmem:s17+$0x19000] =	vst v21  }
.LBB2_5:
0xc5: {  	v22 =	vld [tilespmem:$0x19000]  }
0xc6: {  	v23 =	vld [tilespmem:$0x19010]  }
0xc7: {  	v24 =	vld [tilespmem:$0x19020]  }
0xc8: {  	v25 =	vld [tilespmem:$0x19030]  }
0xc9: {  	v26 =	vld [tilespmem:$0x19040];
	_ =	sdelay $0x1  }
0xca: {  	v21 =	vmax.f32 v22, v23  }
0xcb: {  	v21 =	vmax.f32 v21, v24  }
0xcc: {  	v21 =	vmax.f32 v21, v25  }
0xcd: {  	v21 =	vmax.f32 v21, v26  }
0xce: {  	(xrf0) =	vmax.scan.msk.f32 $0xffff, v21;
	_ =	sdelay $0x5  }
0xcf: {  	v27, _, _ =	vpop (xrf0)  }
0xd0: {  	v21 =	vbroadcast v27, $0xF;
	_ =	sdelay $0x1  }
0xd1: {  	vm1 =	veq.f32 v26, v21  }
0xd2: {  	vm2 =	veq.f32 v25, v21;
	v61 =	vnsel vm1, $0xC0000000, v4  }
0xd3: {  	vm1 =	veq.f32 v24, v21;
	v62 =	vsel vm2, v5, v61  }
0xd4: {  	vm2 =	veq.f32 v23, v21;
	v23 =	vsel vm1, v6, v62  }
0xd5: {  	vm1 =	veq.f32 v22, v21;
	v22 =	vsel vm2, v7, v23  }
0xd6: {  	v22 =	vsel vm1, v18, v22  }
0xd7: {  	(xrf0) =	vmin.scan.msk.u32 $0xffff, v22;
	_ =	sdelay $0x5  }
0xd8: {  	(v2sf) =	vpush v27, $0xF;
	v22, _, _ =	vpop (xrf0)  }
0xd9: {  	(v2sf) =	vpush v22, $0xF;
	_ =	sdelay $0xd  }
0xda: {  	s19 =	spop (v2sf)  }
0xdb: {  	s16 =	spop (v2sf)  }
0xdc: {  	s17 =	sshll.u32 s16, $0x8  }
0xdd: {  	v22 =	vld [tilespmem:s17+$0xF0]  }
0xde: {  	v23 =	vld [tilespmem:s17+$0xE0]  }
0xdf: {  	v63 =	vld [tilespmem:s17+$0xD0]  }
0xe0: {  	v32 =	vld [tilespmem:s17+$0xC0]  }
0xe1: {  	v33 =	vld [tilespmem:s17+$0xB0]  }
0xe2: {  	v34 =	vld [tilespmem:s17+$0xA0];
	vm1 =	veq.f32 v22, v21  }
0xe3: {  	v22 =	vld [tilespmem:s17+$0x90];
	vm2 =	veq.f32 v23, v21;
	v23 =	vnsel vm1, $0xC0000000, v8  }
0xe4: {  	v28 =	vld [tilespmem:s17+$0x80];
	vm1 =	veq.f32 v63, v21;
	v23 =	vsel vm2, v9, v23  }
0xe5: {  	v35 =	vld [tilespmem:s17+$0x70];
	vm2 =	veq.f32 v32, v21;
	v23 =	vsel vm1, v10, v23  }
0xe6: {  	v36 =	vld [tilespmem:s17+$0x60];
	vm1 =	veq.f32 v33, v21;
	v23 =	vsel vm2, v11, v23  }
0xe7: {  	v37 =	vld [tilespmem:s17+$0x50];
	vm2 =	veq.f32 v34, v21;
	v23 =	vsel vm1, v12, v23  }
0xe8: {  	v38 =	vld [tilespmem:s17+$0x40];
	vm1 =	veq.f32 v22, v21;
	v22 =	vsel vm2, v13, v23  }
0xe9: {  	v23 =	vld [tilespmem:s17+$0x30];
	vm2 =	veq.f32 v28, v21;
	v22 =	vsel vm1, v14, v22  }
0xea: {  	v39 =	vld [tilespmem:s17+$0x20];
	vm1 =	veq.f32 v35, v21;
	v22 =	vsel vm2, v15, v22  }
0xeb: {  	v40 =	vld [tilespmem:s17+$0x10];
	vm2 =	veq.f32 v36, v21;
	v22 =	vsel vm1, v16, v22  }
0xec: {  	v41 =	vld [tilespmem:s17+$0x0];
	vm1 =	veq.f32 v37, v21;
	v22 =	vsel vm2, v17, v22  }
0xed: {  	vm2 =	veq.f32 v38, v21;
	v22 =	vsel vm1, v19, v22  }
0xee: {  	vm1 =	veq.f32 v23, v21;
	v22 =	vsel vm2, v4, v22  }
0xef: {  	vm2 =	veq.f32 v39, v21;
	v22 =	vsel vm1, v5, v22  }
0xf0: {  	vm1 =	veq.f32 v40, v21;
	v22 =	vsel vm2, v6, v22  }
0xf1: {  	vm2 =	veq.f32 v41, v21;
	v22 =	vsel vm1, v7, v22  }
0xf2: {  	v22 =	vsel vm2, v18, v22  }
0xf3: {  	(xrf0) =	vmin.scan.msk.u32 $0xffff, v22;
	_ =	sdelay $0x5  }
0xf4: {  	v22, _, _ =	vpop (xrf0)  }
0xf5: {  	(v2sf) =	vpush v22, $0xF;
	_ =	sdelay $0xe  }
0xf6: {  	s18 =	spop (v2sf)  }
0xf7: {  	s20 =	sxor.u32 $0x80000000, s18  }
0xf8: {  	s21 =	sadd.s32 s17, s20  }
0xf9: {  	s22 =	sshra.s32 s21, $0x1F  }
0xfa: {  	s22 =	sshrl.u32 s22, $0x19  }
0xfb: {  	s22 =	sadd.s32 s22, s21  }
0xfc: {  	s23 =	sand.u32 $0xFFFFFF80, s22  }
0xfd: {  	p0 =	slt.s32 s21, $0x1;
	p1 =	sne.s32 s21, s23  }
0xfe: {  	p0 =	por !p0, !p1  }
0xff: {  	s21 =	simm.s32 $0x1;
	p0 =	por !p0, !p0  }
0x100: {  	s22 =	sshrl.u32 s22, $0x7;
	s21 =	simm.s32 @!p0 $0x0  }
0x101: {  	s21 =	ssub.s32 s22, s21  }
0x102: {  	s30 =	sand.u32 $0x7F, s18;
	s21 =	sshll.u32 s21, $0x7  }
0x103: {  	s21 =	sor.u32 s30, s21  }
0x104: {  	v22 =	vadd.s32 s21, v20;
	_ =	sdelay $0x4  }
0x105: {  	v22 =	vld.idx.msk [tilespmem:v22+s9+$0x0], $0xffff;
	_ =	sdelay $0x4  }
0x106: {  	(v2sf) =	vpush v22, $0x0  }
0x107: {  	(v2sf) =	vpush v22, $0x1  }
0x108: {  	(v2sf) =	vpush v22, $0x2  }
0x109: {  	v42 =	vld [tilespmem:$0x19180]  }
0x10a: {  	v43 =	vld [tilespmem:$0x19200]  }
0x10b: {  	v44 =	vld [tilespmem:$0x19090];
	(v2sf) =	vpush v22, $0x3  }
0x10c: {  	v45 =	vld [tilespmem:$0x19110]  }
0x10d: {  	v30 =	vld [tilespmem:$0x19190]  }
0x10e: {  	v31 =	vld [tilespmem:$0x19210]  }
0x10f: {  	v50 =	vld [tilespmem:$0x19120]  }
0x110: {  	v53 =	vld [tilespmem:$0x191A0]  }
0x111: {  	v54 =	vld [tilespmem:$0x19220]  }
0x112: {  	v32 =	vld [tilespmem:$0x190A0]  }
0x113: {  	v23 =	vld [tilespmem:$0x19100]  }
0x114: {  	v22 =	vld [tilespmem:$0x19080]  }
0x115: {  	v55 =	vld [tilespmem:$0x190B0];
	v27 =	vsub.f32 v31, v45;
	v26 =	vsub.f32 v30, v44;
	s29 =	spop (v2sf)  }
0x116: {  	v57 =	vld [tilespmem:$0x19130];
	s28 =	spop (v2sf)  }
0x117: {  	v26 =	vmul.f32 v27, v26;
	v27 =	vsub.f32 v54, v50;
	v63 =	vld [tilespmem:$0x191C0];
	v28 =	vsub.f32 v53, v32;
	s26 =	spop (v2sf)  }
0x118: {  	v58 =	vld [tilespmem:$0x191B0];
	s24 =	smin.f32 s29, s26  }
0x119: {  	v37 =	vld [tilespmem:$0x19140];
	v27 =	vmul.f32 v27, v28;
	v29 =	vsub.f32 v43, v23;
	s22 =	smax.f32 s29, s26;
	v46 =	vmax.f32 v22, s24  }
0x11a: {  	v38 =	vld [tilespmem:$0x19240];
	s25 =	spop (v2sf);
	v22 =	vsub.f32 v42, v22;
	v24 =	vmin.f32 v42, s22;
	v47 =	vmax.f32 v44, s24  }
0x11b: {  	v41 =	vld [tilespmem:$0x19250];
	s23 =	smin.f32 s28, s25;
	v49 =	vmin.f32 v30, s22;
	v59 =	vmax.f32 v32, s24;
	v34 =	vmin.f32 v53, s22  }
0x11c: {  	s21 =	smax.f32 s28, s25;
	v44 =	vmax.f32 v55, s24;
	v39 =	vmin.f32 v63, s22;
	v23 =	vmax.f32 v23, s23  }
0x11d: {  	v35 =	vld [tilespmem:$0x19230];
	v25 =	vmin.f32 v43, s21;
	v24 =	vsub.f32 v24, v46;
	v48 =	vmax.f32 v45, s23  }
0x11e: {  	v60 =	vld [tilespmem:$0x190C0];
	v33 =	vmin.f32 v31, s21;
	v51 =	vsub.f32 v49, v47;
	v61 =	vmax.f32 v50, s23  }
0x11f: {  	v36 =	vmin.f32 v54, s21;
	v45 =	vmin.f32 v58, s22;
	v47 =	vmax.f32 v57, s23  }
0x120: {  	s30 =	ssub.f32 s22, s24;
	v54 =	vmax.f32 v37, s23;
	v40 =	vmin.f32 v38, s21;
	v42 =	vmin.f32 v41, s21  }
0x121: {  	s31 =	ssub.f32 s21, s23;
	v23 =	vsub.f32 v25, v23;
	v22 =	vmul.f32 v29, v22;
	v52 =	vsub.f32 v33, v48  }
0x122: {  	v53 =	vld [tilespmem:$0x191D0];
	v62 =	vsub.f32 v36, v61;
	v46 =	vsub.f32 v45, v44;
	v48 =	vmin.f32 v35, s21  }
0x123: {  	v49 =	vld [tilespmem:$0x190D0];
	v29 =	vsub.f32 v58, v55;
	v33 =	vsub.f32 v63, v60;
	s30 =	smul.f32 s31, s30;
	v24 =	vmax.f32 v24, $0.0e+00  }
0x124: {  	v23 =	vmax.f32 v23, $0.0e+00;
	v25 =	vmax.f32 v52, $0.0e+00;
	v50 =	vmax.f32 v46, $0.0e+00  }
0x125: {  	v52 =	vmax.f32 v60, s24;
	v22 =	vadd.f32 s30, v22;
	v23 =	vmul.f32 v23, v24  }
0x126: {  	v24 =	vmax.f32 v51, $0.0e+00;
	v56 =	vadd.f32 s30, v26;
	v26 =	vsub.f32 v35, v57  }
0x127: {  	v31 =	vsub.f32 v39, v52;
	v35 =	vsub.f32 v40, v54;
	v61 =	vmin.f32 v53, s22  }
0x128: {  	v51 =	vld [tilespmem:$0x19150];
	v27 =	vadd.f32 s30, v27;
	v24 =	vmul.f32 v25, v24;
	v60 =	vmax.f32 v49, s24  }
0x129: {  	v58 =	vld [tilespmem:$0x19160];
	v32 =	vsub.f32 v53, v49;
	v22 =	vsub.f32 v22, v23;
	v26 =	vmul.f32 v26, v29  }
0x12a: {  	v57 =	vmax.f32 v35, $0.0e+00;
	v25 =	vsub.f32 v56, v24;
	v56 =	vmax.f32 v31, $0.0e+00  }
0x12b: {  	v22 =	vmax.f32 v22, $9.999999930e-09;
	v29 =	vmul.f32 v57, v56;
	v26 =	vadd.f32 s30, v26  }
0x12c: {  	v55 =	vld [tilespmem:$0x190E0];
	(erf) = vrcp.f32 v22;
	v22 =	vsub.f32 v34, v59;
	v25 =	vmax.f32 v25, $9.999999930e-09  }
0x12d: {  	v44 =	vld [tilespmem:$0x19260];
	v59 =	vsub.f32 v38, v37;
	v63 =	vmax.f32 v51, s23;
	v37 =	vsub.f32 v61, v60  }
0x12e: {  	v30 =	vsub.f32 v41, v51;
	v34 =	vmax.f32 v58, s23;
	(erf) = vrcp.f32 v25  }
0x12f: {  	v25 =	vmax.f32 v62, $0.0e+00;
	v62 =	vld [tilespmem:$0x191E0];
	v45 =	vsub.f32 v42, v63;
	v22 =	vmax.f32 v22, $0.0e+00  }
0x130: {  	v33 =	vmul.f32 v59, v33;
	v22 =	vmul.f32 v25, v22;
	v25 =	vsub.f32 v48, v47  }
0x131: {  	v46 =	vmax.f32 v37, $0.0e+00;
	v30 =	vmul.f32 v30, v32;
	v31 =	vmax.f32 v45, $0.0e+00  }
0x132: {  	v47 =	vmax.f32 v55, s24;
	v48 =	vsub.f32 v44, v58;
	v25 =	vmax.f32 v25, $0.0e+00  }
0x133: {  	v33 =	vadd.f32 s30, v33;
	v30 =	vadd.f32 s30, v30;
	v25 =	vmul.f32 v25, v50  }
0x134: {  	v28 =	vsub.f32 v62, v55;
	v49 =	vmin.f32 v62, s22;
	v50 =	vmin.f32 v44, s21  }
0x135: {  	v31 =	vmul.f32 v31, v46;
	v32 =	vsub.f32 v49, v47;
	v34 =	vsub.f32 v50, v34  }
0x136: {  	v27 =	vsub.f32 v27, v22;
	v33 =	vsub.f32 v33, v29;
	v28 =	vmul.f32 v48, v28  }
0x137: {  	v26 =	vsub.f32 v26, v25;
	v32 =	vmax.f32 v32, $0.0e+00;
	v34 =	vmax.f32 v34, $0.0e+00  }
0x138: {  	v27 =	vmax.f32 v27, $9.999999930e-09;
	v32 =	vmul.f32 v34, v32;
	v28 =	vadd.f32 s30, v28  }
0x139: {  	v51 =	vsub.f32 v30, v31;
	(erf) = vrcp.f32 v27;
	v26 =	vmax.f32 v26, $9.999999930e-09  }
0x13a: {  	v52 =	vmax.f32 v33, $9.999999930e-09;
	(erf) = vrcp.f32 v26;
	v28 =	vsub.f32 v28, v32  }
0x13b: {  	v53 =	vmax.f32 v51, $9.999999930e-09;
	(erf) = vrcp.f32 v52  }
0x13c: {  	(erf) = vrcp.f32 v53;
	v54 =	vmax.f32 v28, $9.999999930e-09  }
0x13d: {  	(erf) = vrcp.f32 v54;
	_ =	sdelay $0x2  }
0x13e: {  	v55 =	vpop (erf)  }
0x13f: {  	v56 =	vpop (erf);
	v23 =	vmul.f32 v55, v23  }
0x140: {  	v24 =	vmul.f32 v56, v24;
	v57 =	vpop (erf)  }
0x141: {  	v23 =	vmax.f32 v23, $0.0e+00;
	v22 =	vmul.f32 v57, v22;
	v58 =	vpop (erf)  }
0x142: {  	v23 =	vmax.f32 v23, v24;
	v59 =	vpop (erf);
	v60 =	vmul.f32 v58, v25  }
0x143: {  	v22 =	vmax.f32 v23, v22;
	v61 =	vpop (erf);
	v23 =	vmul.f32 v59, v29  }
0x144: {  	v22 =	vmax.f32 v22, v60;
	v62 =	vmul.f32 v61, v31;
	v63 =	vpop (erf)  }
0x145: {  	v22 =	vmax.f32 v22, v23;
	v23 =	vmul.f32 v63, v32  }
0x146: {  	v22 =	vmax.f32 v22, v62  }
0x147: {  	v22 =	vmax.f32 v22, v23  }
0x148: {  	(xrf0) =	vmax.scan.msk.f32 $0xffff, v22;
	_ =	sdelay $0x5  }
0x149: {  	v22, _, _ =	vpop (xrf0)  }
0x14a: {  	(v2sf) =	vpush v22, $0xF;
	_ =	sdelay $0xe  }
0x14b: {  	s31 =	spop (v2sf)  }
0x14c: {  	p6 =	sgt.f32 s31, $5.000000000e-01  }
0x14d: {  	p0 =	sgt.f32 s19, $5.000000070e-02  }
0x14e: {  	p1 =	por !p6, !p6  }
0x14f: {  	p1 =	por !p0, !p1  }
0x150: {  	p1 =	por !p1, !p1  }
0x151: {  	s19 =	smov.u32 s15;
	s15 =	sshll.u32 @p1 s15, $0x3  }
0x152: {  	s30 =	sand.u32 @p1 $0x3F0, s15  }
0x153: {  	v22 =	vld @p1 [tilespmem:s30+$0x19280];
	_ =	sdelay $0x1  }
0x154: {  	s15 =	sand.u32 @p1 $0x8, s15  }
0x155: {  	v24 =	vlaneseq.u32 @p1;
	s29 =	smax.f32 @p1 s29, $0.0e+00;
	v23 =	vmov @p1 s15;
	s31 =	sor.u32 @p1 $0x1, s15  }
0x156: {  	s28 =	smax.f32 @p1 s28, $0.0e+00;
	s29 =	smin.f32 @p1 s29, $1.000000000e+00;
	vm1 =	veq.s32 @p1 v23, v24;
	v23 =	vmov @p1 s31;
	s31 =	sor.u32 @p1 $0x2, s15  }
0x157: {  	s26 =	smax.f32 @p1 s26, $0.0e+00;
	s28 =	smin.f32 @p1 s28, $1.000000000e+00;
	v22 =	vsel @p1 vm1, s29, v22;
	vm1 =	veq.s32 @p1 v23, v24;
	v23 =	vmov @p1 s31;
	s29 =	sor.u32 @p1 $0x3, s15  }
0x158: {  	s25 =	smax.f32 @p1 s25, $0.0e+00;
	s26 =	smin.f32 @p1 s26, $1.000000000e+00;
	s15 =	sor.u32 @p1 $0x4, s15;
	v22 =	vsel @p1 vm1, s28, v22;
	vm1 =	veq.s32 @p1 v23, v24;
	v23 =	vmov @p1 s29  }
0x159: {  	s25 =	smin.f32 @p1 s25, $1.000000000e+00;
	v22 =	vsel @p1 vm1, s26, v22;
	vm1 =	veq.s32 @p1 v23, v24;
	v23 =	vmov @p1 s15;
	s15 =	sshra.s32 @p0 s20, $0x1F  }
0x15a: {  	v22 =	vsel @p1 vm1, s25, v22;
	vm1 =	veq.s32 @p1 v23, v24;
	s15 =	sshrl.u32 @p0 s15, $0x19  }
0x15b: {  	p2 =	slt.s32 @p0 s20, $0x1;
	v21 =	vsel @p1 vm1, v21, v22;
	s15 =	sadd.s32 @p0 s15, s20  }
0x15c: {  	p3 =	sgt.s32 @p0 s18, $0xFFFFFFFF;
	s25 =	sand.u32 @p1 $0x70, s19;
	[tilespmem:s30+$0x19280] =	vst @p1 v21;
	s26 =	sand.u32 @p0 $0xFFFFFF80, s15  }
0x15d: {  	p2 =	por @p0 p3, p2;
	v21 =	vld @p1 [tilespmem:s25+$0x19080];
	p3 =	sne.s32 @p0 s20, s26  }
0x15e: {  	v22 =	vld @p1 [tilespmem:s25+$0x19100];
	p2 =	por @p0 !p2, !p3  }
0x15f: {  	s20 =	sand.u32 @p1 $0xF, s19;
	v23 =	vld @p1 [tilespmem:s25+$0x19180];
	p2 =	por @p0 !p2, !p2  }
0x160: {  	v26 =	vld @p1 [tilespmem:s25+$0x19200];
	v25 =	vmov @p1 s20;
	s20 =	simm.s32 @p0 $0x1;
	p2 =	por !p2, !p0  }
0x161: {  	v27 =	vmov s24;
	s15 =	sshrl.u32 @p0 s15, $0x7;
	vm1 =	veq.s32 @p1 v25, v24;
	s20 =	simm.s32 @p2 $0x0  }
0x162: {  	v24 =	vmov s23;
	v21 =	vsel @p1 vm1, v27, v21;
	s15 =	ssub.s32 @p0 s15, s20  }
0x163: {  	v25 =	vmov s22;
	s20 =	sshll.u32 @p0 s16, $0xA;
	[tilespmem:s25+$0x19080] =	vst @p1 v21;
	v21 =	vsel @p1 vm1, v24, v22;
	s15 =	sshll.u32 @p0 s15, $0x9  }
0x164: {  	v22 =	vmov s21;
	s20 =	sshra.s32 @p0 s20, $0x2;
	[tilespmem:s25+$0x19100] =	vst @p1 v21;
	v21 =	vsel @p1 vm1, v25, v23;
	s15 =	sshra.s32 @p0 s15, $0x2  }
0x165: {  	s21 =	sand.u32 @p0 $0x70, s18;
	[tilespmem:s25+$0x19180] =	vst @p1 v21;
	v21 =	vsel @p1 vm1, v22, v26;
	s15 =	sadd.s32 @p0 s15, s20  }
0x166: {  	[tilespmem:s25+$0x19200] =	vst @p1 v21;
	s15 =	sor.u32 @p0 s21, s15  }
0x167: {  	v21 =	vld @p0 [tilespmem:s15+$0x0];
	_ =	sdelay $0x1  }
0x168: {  	s18 =	sand.u32 @p0 $0xF, s18  }
0x169: {  	v23 =	vlaneseq.u32 @p0;
	v22 =	vmov @p0 s18  }
0x16a: {  	vm1 =	veq.s32 @p0 v22, v23  }
0x16b: {  	v21 =	vsel @p0 vm1, $0xF149F2CA, v21  }
0x16c: {  	[tilespmem:s15+$0x0] =	vst @p0 v21  }
0x16d: {  	v21 =	vld @p0 [tilespmem:s17+$0x0]  }
0x16e: {  	v22 =	vld @p0 [tilespmem:s17+$0x10]  }
0x16f: {  	v24 =	vld @p0 [tilespmem:s17+$0x20]  }
0x170: {  	v25 =	vld @p0 [tilespmem:s17+$0x30]  }
0x171: {  	v26 =	vld @p0 [tilespmem:s17+$0x40]  }
0x172: {  	v27 =	vld @p0 [tilespmem:s17+$0x50]  }
0x173: {  	v21 =	vmax.f32 @p0 v21, v22;
	v22 =	vld @p0 [tilespmem:s17+$0x60]  }
0x174: {  	v21 =	vmax.f32 @p0 v21, v24;
	v24 =	vld @p0 [tilespmem:s17+$0x70]  }
0x175: {  	v21 =	vmax.f32 @p0 v21, v25;
	v25 =	vld @p0 [tilespmem:s17+$0x80]  }
0x176: {  	v21 =	vmax.f32 @p0 v21, v26;
	v26 =	vld @p0 [tilespmem:s17+$0x90]  }
0x177: {  	v21 =	vmax.f32 @p0 v21, v27;
	v27 =	vld @p0 [tilespmem:s17+$0xA0]  }
0x178: {  	v21 =	vmax.f32 @p0 v21, v22;
	v22 =	vld @p0 [tilespmem:s17+$0xB0]  }
0x179: {  	s15 =	sxor.u32 $0x80000000, s16;
	v21 =	vmax.f32 @p0 v21, v24;
	v24 =	vld @p0 [tilespmem:s17+$0xC0]  }
0x17a: {  	s18 =	sshra.s32 @p0 s15, $0x1F;
	v21 =	vmax.f32 @p0 v21, v25;
	v25 =	vld @p0 [tilespmem:s17+$0xD0]  }
0x17b: {  	s18 =	sshrl.u32 @p0 s18, $0x1C;
	v21 =	vmax.f32 @p0 v21, v26;
	v26 =	vld @p0 [tilespmem:s17+$0xE0]  }
0x17c: {  	v21 =	vmax.f32 @p0 v21, v27;
	v27 =	vld @p0 [tilespmem:s17+$0xF0];
	s17 =	sadd.s32 @p0 s18, s15  }
0x17d: {  	p3 =	sgt.s32 @p0 s16, $0xFFFFFFFF;
	p2 =	slt.s32 @p0 s15, $0x1;
	s18 =	sand.u32 @p0 $0xFFFFFFF0, s17  }
0x17e: {  	p2 =	por @p0 p3, p2;
	p3 =	sne.s32 @p0 s15, s18  }
0x17f: {  	v21 =	vmax.f32 @p0 v21, v22;
	p2 =	por @p0 !p2, !p3  }
0x180: {  	v21 =	vmax.f32 @p0 v21, v24;
	p2 =	por @p0 !p2, !p2  }
0x181: {  	s15 =	simm.s32 @p0 $0x1;
	v21 =	vmax.f32 @p0 v21, v25;
	p2 =	por !p2, !p0  }
0x182: {  	s17 =	sshrl.u32 @p0 s17, $0x4;
	v21 =	vmax.f32 @p0 v21, v26;
	s15 =	simm.s32 @p2 $0x0  }
0x183: {  	v21 =	vmax.f32 @p0 v21, v27;
	s15 =	ssub.s32 @p0 s17, s15  }
0x184: {  	(xrf0) =	vmax.scan.msk.f32 @p0 $0xffff, v21;
	s15 =	sshll.u32 @p0 s15, $0x6  }
0x185: {  	p1 =	por !p1, !p0;
	s17 =	sshra.s32 @p0 s15, $0x2;
	s15 =	simm.s32 @p0 $0x1  }
0x186: {  	s15 =	simm.s32 @p1 $0x0  }
0x187: {  	s15 =	sadd.s32 @p0 s15, s19  }
0x188: {  	v21 =	vld @p0 [tilespmem:s17+$0x19000];
	p1 =	slt.u32 @p0 s15, $0x64  }
0x189: {  	p1 =	por !p0, !p1  }
.Ltmp2:
0x18a: {  	s16 =	sand.u32 @p0 $0xF, s16;
	v22, _, _ =	vpop @p0 (xrf0);
	(pc) =	sbr.rel @!p1 .LBB2_5-.Ltmp2, $4  }
0x18b: {  	v24 =	vmov @p0 s16;
	v22 =	vbroadcast @p0 v22, $0xF  }
0x18c: {  	vm1 =	veq.s32 @p0 v24, v23  }
0x18d: {  	v21 =	vsel @p0 vm1, v22, v21  }
0x18e: {  	[tilespmem:s17+$0x19000] =	vst @p0 v21  }
0x18f: {  	s19 =	smov.u32 @p0 s15  }
0x190: {  	v21 =	vmov s19  }
0x191: {  	v21 =	vnsel vm0, $0x0, v21  }
0x192: {  	[tilespmem:$0x19600] =	vst v21  }
0x193: {  	[hbm4b:s4+s10] =	stream.strided.scatter [tilespmem:s12], [sflag:$0x1], $0x380, s11, s10, $0x38;
	[tilespmem:$0x19680] =	vst v63  }
0x194: {  	s14 =	sadd.s32 $0x1, s14;
	_ =	swait.ge [sflag:s8], $0x380  }
0x195: {  	p0 =	sne.s32 s14, s7;
	[sflag:s8] =	ssyncset.done $0x0  }
.Ltmp3:
0x196: {  	[sflag:s8] =	ssyncadd.s32 $0xFFFFFC80;
	(pc) =	sbr.rel @p0 .LBB2_2-.Ltmp3, $4  }
0x197: {  	[hbm4b:s5+s2] =	stream.linear.scatter [tilespmem:s13], [sflag:$0x1], $0x80, $0x38;
	[tilespmem:$0x19680] =	vst v63  }
0x198: {  	_ =	swait.ge [sflag:s8], $0x80  }
0x199: {  	[sflag:s8] =	ssyncset.done $0x0  }
0x19a: {  	[sflag:s8] =	ssyncadd.s32 $0xFFFFFF80  }
.LBB2_7:
0x19b: {  	_ =	sfence.sel $0x180000  }
0x19c: {  	[bflag:$0x0] =	sbarrier.arrive $0xFFFF  }
0x19d: {  	p0 =	sne.s32 s1, $0x0;
	_ =	strace $0x90000047  }
0x19e: {  	s0 =	sadd.s32 @!p0 $0x100000, s0;
	[bflag:$0x2] =	sbarrier.arrive $0xFFFF  }
0x19f: {  	[sflag:s0] =	ssyncadd.tile.s32 @!p0 $0x1;
	_ =	shalt  }
.Lfunc_end2:
_tile_overlayer_lowered:
.L_overlay_start_2:
0x1a0: {  	(tag) =	ssettag $0x2  }
0x1a1: {  	s0 =	rddreg [dreg:$0x0];
	s2 =	stileid.u32  }
0x1a2: {  	s1 =	rddreg [dreg:$0x1];
	p0 =	sne.s32 s2, $0x0  }
0x1a3: {  	s3 =	rddreg [dreg:$0x2];
	[bflag:$0x3] =	sbarrier.arrive $0xFFFF;
	s2 =	simm.s32 @!p0 $0x1C01  }
0x1a4: {  	[timem:s3], [sflag:s2] =	dma.local @!p0 [hbm:s0], s1  }
0x1a5: {  	s0 =	simm.s32 @!p0 $0x1  }
0x1a6: {  	_ =	swait.ge @!p0 [sflag:s0], s1  }
0x1a7: {  	s1 =	ssub.s32 @!p0 $0x0, s1;
	[sflag:s0] =	ssyncset.done @!p0 $0x0  }
0x1a8: {  	[sflag:s0] =	ssyncadd.s32 @!p0 s1  }
0x1a9: {  	[bflag:$0x3] =	sbarrier.arrive $0xFFFF  }
0x1aa: {  	_ =	shalt  }

</sc_bundles>
